<compile_context>
chip_gen: v7x
topology: tpu7x:2x2x1
jax: 0.10.2.dev20260603
libtpu: 0.0.44.dev20260713+nightly
codegen_flags: <defaults>
</compile_context>

<pallas_src>
import jax
import jax.numpy as jnp
from jax import lax
from jax.experimental import pallas as pl
from jax.experimental.pallas import tpu as pltpu
from jax.experimental.pallas import tpu_sc as plsc

EPS = 1e-6
B = 8
IN_SIZE = 4096
OUT_SIZE = 1024
K = 32768
NC = 2
NS = 16
L = 16
NW = NC * NS
KPT = K // NW
NVEC = KPT // L
UNROLL = 1
OUT_FLAT = B * OUT_SIZE
RED = OUT_FLAT // NS
RPR = OUT_SIZE // RED


def _sc_body(x_hbm, m0_hbm, m1_hbm, s0_hbm, s1_hbm, val_hbm, out_hbm,
             x_v, acc_v, m0_v, m1_v, s0_v, s1_v, val_v, stage_v, red_v,
             shared, dma_sem):
    c = lax.axis_index("c")
    s = lax.axis_index("s")
    wid = c * NS + s
    kbase = wid * KPT

    copies = [
        pltpu.async_copy(x_hbm.at[b], x_v.at[pl.ds(b * IN_SIZE, IN_SIZE)],
                         dma_sem)
        for b in range(B)
    ]
    copies.append(pltpu.async_copy(m0_hbm.at[pl.ds(kbase, KPT)], m0_v,
                                   dma_sem))
    copies.append(pltpu.async_copy(m1_hbm.at[pl.ds(kbase, KPT)], m1_v,
                                   dma_sem))
    copies.append(pltpu.async_copy(s0_hbm.at[pl.ds(kbase, KPT)], s0_v,
                                   dma_sem))
    copies.append(pltpu.async_copy(s1_hbm.at[pl.ds(kbase, KPT)], s1_v,
                                   dma_sem))
    copies.append(pltpu.async_copy(val_hbm.at[pl.ds(kbase, KPT)], val_v,
                                   dma_sem))

    zeros = jnp.zeros((L,), jnp.float32)

    @plsc.parallel_loop(0, OUT_FLAT, L, unroll=4)
    def zero_body(o):
        acc_v[pl.ds(o, L)] = zeros

    for cp in copies:
        cp.wait()

    def do_chunk(base):
        m0 = m0_v[pl.dslice(base, L)]
        m1 = m1_v[pl.dslice(base, L)]
        s0 = s0_v[pl.dslice(base, L)]
        s1 = s1_v[pl.dslice(base, L)]
        vv = val_v[pl.dslice(base, L)]

        fi0 = m0.astype(jnp.int32)
        fv0 = fi0.astype(jnp.float32)
        ci0 = jnp.where(fv0 == m0, fi0, fi0 + 1)
        cv0 = ci0.astype(jnp.float32)
        fi1 = m1.astype(jnp.int32)
        fv1 = fi1.astype(jnp.float32)
        ci1 = jnp.where(fv1 == m1, fi1, fi1 + 1)
        cv1 = ci1.astype(jnp.float32)

        w0 = 1.0 / (EPS + s0)
        w1 = 1.0 / (EPS + s1)
        d = fv0 - m0
        e00 = d * d * w0
        d = cv0 - m0
        e01 = d * d * w0
        d = fv1 - m1
        e10 = d * d * w1
        d = cv1 - m1
        e11 = d * d * w1

        p0 = jnp.exp(-0.5 * (e00 + e10))
        p1 = jnp.exp(-0.5 * (e00 + e11))
        p2 = jnp.exp(-0.5 * (e01 + e10))
        p3 = jnp.exp(-0.5 * (e01 + e11))
        vn = vv / (p0 + p1 + p2 + p3 + EPS)
        v0 = p0 * vn
        v1 = p1 * vn
        v2 = p2 * vn
        v3 = p3 * vn

        of = jnp.minimum(jnp.maximum(fi0, 0), OUT_SIZE - 1)
        oc = jnp.minimum(jnp.maximum(ci0, 0), OUT_SIZE - 1)
        gf = jnp.minimum(jnp.maximum(fi1, 0), IN_SIZE - 1)
        gc = jnp.minimum(jnp.maximum(ci1, 0), IN_SIZE - 1)
        for b in range(B):
            xf = plsc.load_gather(x_v, [gf + b * IN_SIZE])
            xc = plsc.load_gather(x_v, [gc + b * IN_SIZE])
            plsc.addupdate_scatter(acc_v, [of + b * OUT_SIZE],
                                   v0 * xf + v1 * xc)
            plsc.addupdate_scatter(acc_v, [oc + b * OUT_SIZE],
                                   v2 * xf + v3 * xc)

    @plsc.parallel_loop(0, KPT, L, unroll=UNROLL)
    def chunk_loop(base):
        do_chunk(base)

    pltpu.sync_copy(acc_v, shared.at[s])
    plsc.subcore_barrier()

    rbase = s * RED
    pltpu.sync_copy(shared.at[:, pl.ds(rbase, RED)], stage_v)

    @plsc.parallel_loop(0, RED, L, unroll=2)
    def red_body(o):
        acc = stage_v[0, pl.ds(o, L)]
        for t in range(1, NS):
            acc = acc + stage_v[t, pl.ds(o, L)]
        red_v[pl.ds(o, L)] = acc

    pltpu.sync_copy(red_v,
                    out_hbm.at[c, s // RPR, pl.ds((s % RPR) * RED, RED)])


def _combine_body(p_ref, b_ref, o_ref):
    o_ref[...] = p_ref[0] + p_ref[1] + b_ref[...]


@jax.jit
def _run(input, means, sigmas, values, bias):
    mesh = plsc.VectorSubcoreMesh(core_axis_name="c", subcore_axis_name="s",
                                  num_cores=NC, num_subcores=NS)
    partials = pl.kernel(
        _sc_body,
        out_type=jax.ShapeDtypeStruct((NC, B, OUT_SIZE), jnp.float32),
        mesh=mesh,
        scratch_types=[
            pltpu.VMEM((B * IN_SIZE,), jnp.float32),
            pltpu.VMEM((OUT_FLAT,), jnp.float32),
            pltpu.VMEM((KPT,), jnp.float32),
            pltpu.VMEM((KPT,), jnp.float32),
            pltpu.VMEM((KPT,), jnp.float32),
            pltpu.VMEM((KPT,), jnp.float32),
            pltpu.VMEM((KPT,), jnp.float32),
            pltpu.VMEM((NS, RED), jnp.float32),
            pltpu.VMEM((RED,), jnp.float32),
            pltpu.VMEM_SHARED((NS, OUT_FLAT), jnp.float32),
            pltpu.SemaphoreType.DMA,
        ],
        compiler_params=pltpu.CompilerParams(needs_layout_passes=False),
    )(input, means[:, 0], means[:, 1], sigmas[:, 0], sigmas[:, 1], values)
    return pl.pallas_call(
        _combine_body,
        out_shape=jax.ShapeDtypeStruct((B, OUT_SIZE), jnp.float32),
    )(partials, bias.reshape(1, OUT_SIZE))


def kernel(input, means, sigmas, values, bias):
    return _run(input, means, sigmas, values, bias)

# --- scband reference (transcript-rebuilt; emitter-appended) ---
"""Pipeline reference for scband-sparse-layer-90340342104440 (READ-ONLY COPY).

The authoritative reference and input builder live on the scoring server;
editing this copy changes nothing except your own understanding.
"""

import jax, jax.numpy as jnp
import numpy as np
import itertools

EPSILON = 1e-6
B = 8
IN_SIZE = 4096
OUT_SIZE = 1024
K = 32768
RANK = 2


def _floor_mask(rank):
    lsts = [[bool(b) for b in bools] for bools in itertools.product([True, False], repeat=rank)]
    return jnp.array(lsts, dtype=bool)  # (2**rank, rank)


def setup_inputs(seed: int = 0) -> dict:
    key = jax.random.key(seed)
    k1, k2, k3, k4, k5 = jax.random.split(key, 5)
    x = jax.random.normal(k1, (B, IN_SIZE), dtype=jnp.float32)
    # learned continuous index tuples (hypernetwork output / NASLayer params):
    # column 0 indexes the output dim, column 1 indexes the input dim
    means = jax.random.uniform(k2, (K, RANK), dtype=jnp.float32)
    means = means * jnp.array([OUT_SIZE - 1, IN_SIZE - 1], dtype=jnp.float32)
    sigmas = jax.random.uniform(k3, (K, RANK), dtype=jnp.float32) * 2.0 + 0.5
    values = jax.random.normal(k4, (K,), dtype=jnp.float32)
    bias = jax.random.normal(k5, (OUT_SIZE,), dtype=jnp.float32) * 0.01
    return {"input": x, "means": means, "sigmas": sigmas, "values": values, "bias": bias}


def reference(input, means, sigmas, values, bias):
    x = input
    fm = _floor_mask(RANK)  # (4, 2)
    mexp = means[:, None, :]  # (K, 1, 2)
    # generate_integer_tuples: all floor/ceil combinations of each continuous tuple
    # (means.data in torch => detached => stop_gradient here)
    neighbor = jnp.where(fm[None, :, :], jnp.floor(mexp), jnp.ceil(mexp))  # (K, 4, 2)
    neighbor = jax.lax.stop_gradient(neighbor)
    # densities(): unnormalized MVN density of each integer point under its tuple's MVN
    diff = neighbor - means[:, None, :]
    sig = jnp.sqrt(1.0 / (EPSILON + sigmas))[:, None, :]
    prods = jnp.sum((diff * sig) ** 2, axis=-1)  # (K, 4)
    props = jnp.exp(-0.5 * prods)
    props = props / (jnp.sum(props, axis=-1, keepdims=True) + EPSILON)
    vals = props * values[:, None]  # (K, 4) distributed values
    out_idx = jnp.clip(neighbor[..., 0].astype(jnp.int32), 0, OUT_SIZE - 1).reshape(-1)  # (4K,)
    in_idx = jnp.clip(neighbor[..., 1].astype(jnp.int32), 0, IN_SIZE - 1).reshape(-1)  # (4K,)
    vflat = vals.reshape(-1)  # (4K,)
    # apply the instantiated sparse matrix: out[b, o] += v * x[b, i]
    gathered = jnp.take(x, in_idx, axis=1)  # (B, 4K) gather
    contrib = gathered * vflat[None, :]
    out = jnp.zeros((B, OUT_SIZE), dtype=x.dtype)
    out = out.at[:, out_idx].add(contrib)  # scatter-add
    out = out + bias[None, :]  # dense bias (Bias.DENSE)
    return out

if __name__ == "__main__":
    import jax
    _d = setup_inputs()
    print(jax.jit(kernel)(*tuple(_d.values())))

</pallas_src>

<mosaic_0001>
#map = affine_map<(d0, d1) -> (0, 0)>
#map1 = affine_map<(d0, d1) -> (0)>
#map2 = affine_map<(d0, d1) -> (0, 0, 0)>
module attributes {stable_mosaic.version = 14 : i64} {
  func.func @_sc_body(%arg0: i32, %arg1: i32, %arg2: memref<8x4096xf32, #tpu.memory_space<hbm>>, %arg3: memref<32768xf32, #tpu.memory_space<hbm>>, %arg4: memref<32768xf32, #tpu.memory_space<hbm>>, %arg5: memref<32768xf32, #tpu.memory_space<hbm>>, %arg6: memref<32768xf32, #tpu.memory_space<hbm>>, %arg7: memref<32768xf32, #tpu.memory_space<hbm>>, %arg8: memref<2x8x1024xf32, #tpu.memory_space<hbm>>, %arg9: memref<32768xf32, #tpu.memory_space<vmem>>, %arg10: memref<8192xf32, #tpu.memory_space<vmem>>, %arg11: memref<1024xf32, #tpu.memory_space<vmem>>, %arg12: memref<1024xf32, #tpu.memory_space<vmem>>, %arg13: memref<1024xf32, #tpu.memory_space<vmem>>, %arg14: memref<1024xf32, #tpu.memory_space<vmem>>, %arg15: memref<1024xf32, #tpu.memory_space<vmem>>, %arg16: memref<16x512xf32, #tpu.memory_space<vmem>>, %arg17: memref<512xf32, #tpu.memory_space<vmem>>, %arg18: memref<16x8192xf32, #tpu.memory_space<vmem_shared>>, %arg19: memref<!tpu.dma_semaphore, #tpu.memory_space<semaphore_mem>>) attributes {dimension_semantics = [#tpu.dimension_semantics<core_parallel>, #tpu.dimension_semantics<subcore_parallel>], iteration_bounds = array<i64: 2, 16>, scalar_prefetch = 0 : i64, scratch_operands = 11 : i64, tpu.core_type = #tpu.core_type<sc_vector_subcore>, window_params = [{transform_indices = #map}, {transform_indices = #map1}, {transform_indices = #map1}, {transform_indices = #map1}, {transform_indices = #map1}, {transform_indices = #map1}, {transform_indices = #map2}]} {
    %mul3A = arith.constant 16 : i32
    %mul3A_0 = arith.muli %arg0, %mul3A : i32
    %add3A = arith.addi %mul3A_0, %arg1 : i32
    %mul3A_1 = arith.constant 1024 : i32
    %mul3A_2 = arith.muli %add3A, %mul3A_1 : i32
    %dma_start3A = arith.constant 0 : i32
    %dma_start3A_3 = arith.constant 0 : i32
    %dma_start3A_4 = tpu.memref_slice %arg9[%dma_start3A_3] : memref<32768xf32, #tpu.memory_space<vmem>> -> memref<4096xf32, #tpu.memory_space<vmem>>
    %dma_start3A_5 = arith.constant 0 : i32
    %dma_start3A_6 = tpu.memref_slice %arg2[%dma_start3A, %dma_start3A_5] : memref<8x4096xf32, #tpu.memory_space<hbm>> -> memref<1x4096xf32, #tpu.memory_space<hbm>>
    %dma_start3A_7 = tpu.memref_squeeze %dma_start3A_6 : memref<1x4096xf32, #tpu.memory_space<hbm>> -> memref<4096xf32, #tpu.memory_space<hbm>>
    %dma_start3A_8 = arith.constant 0 : i32
    %dma_start3A_9 = tpu.memref_slice %arg9[%dma_start3A_8] : memref<32768xf32, #tpu.memory_space<vmem>> -> memref<4096xf32, #tpu.memory_space<vmem>>
    %dma_start3A_10 = arith.constant 0 : i32
    %dma_start3A_11 = tpu.memref_slice %arg2[%dma_start3A, %dma_start3A_10] : memref<8x4096xf32, #tpu.memory_space<hbm>> -> memref<1x4096xf32, #tpu.memory_space<hbm>>
    %dma_start3A_12 = tpu.memref_squeeze %dma_start3A_11 : memref<1x4096xf32, #tpu.memory_space<hbm>> -> memref<4096xf32, #tpu.memory_space<hbm>>
    tpu.enqueue_dma source(%dma_start3A_12 : memref<4096xf32, #tpu.memory_space<hbm>>) target(%dma_start3A_9 : memref<4096xf32, #tpu.memory_space<vmem>>) target_semaphore(%arg19 : memref<!tpu.dma_semaphore, #tpu.memory_space<semaphore_mem>>)
    %dma_start3A_13 = arith.constant 1 : i32
    %dma_start3A_14 = arith.constant 4096 : i32
    %dma_start3A_15 = tpu.memref_slice %arg9[%dma_start3A_14] : memref<32768xf32, #tpu.memory_space<vmem>> -> memref<4096xf32, #tpu.memory_space<vmem>>
    %dma_start3A_16 = arith.constant 0 : i32
    %dma_start3A_17 = tpu.memref_slice %arg2[%dma_start3A_13, %dma_start3A_16] : memref<8x4096xf32, #tpu.memory_space<hbm>> -> memref<1x4096xf32, #tpu.memory_space<hbm>>
    %dma_start3A_18 = tpu.memref_squeeze %dma_start3A_17 : memref<1x4096xf32, #tpu.memory_space<hbm>> -> memref<4096xf32, #tpu.memory_space<hbm>>
    %dma_start3A_19 = arith.constant 4096 : i32
    %dma_start3A_20 = tpu.memref_slice %arg9[%dma_start3A_19] : memref<32768xf32, #tpu.memory_space<vmem>> -> memref<4096xf32, #tpu.memory_space<vmem>>
    %dma_start3A_21 = arith.constant 0 : i32
    %dma_start3A_22 = tpu.memref_slice %arg2[%dma_start3A_13, %dma_start3A_21] : memref<8x4096xf32, #tpu.memory_space<hbm>> -> memref<1x4096xf32, #tpu.memory_space<hbm>>
    %dma_start3A_23 = tpu.memref_squeeze %dma_start3A_22 : memref<1x4096xf32, #tpu.memory_space<hbm>> -> memref<4096xf32, #tpu.memory_space<hbm>>
    tpu.enqueue_dma source(%dma_start3A_23 : memref<4096xf32, #tpu.memory_space<hbm>>) target(%dma_start3A_20 : memref<4096xf32, #tpu.memory_space<vmem>>) target_semaphore(%arg19 : memref<!tpu.dma_semaphore, #tpu.memory_space<semaphore_mem>>)
    %dma_start3A_24 = arith.constant 2 : i32
    %dma_start3A_25 = arith.constant 8192 : i32
    %dma_start3A_26 = tpu.memref_slice %arg9[%dma_start3A_25] : memref<32768xf32, #tpu.memory_space<vmem>> -> memref<4096xf32, #tpu.memory_space<vmem>>
    %dma_start3A_27 = arith.constant 0 : i32
    %dma_start3A_28 = tpu.memref_slice %arg2[%dma_start3A_24, %dma_start3A_27] : memref<8x4096xf32, #tpu.memory_space<hbm>> -> memref<1x4096xf32, #tpu.memory_space<hbm>>
    %dma_start3A_29 = tpu.memref_squeeze %dma_start3A_28 : memref<1x4096xf32, #tpu.memory_space<hbm>> -> memref<4096xf32, #tpu.memory_space<hbm>>
    %dma_start3A_30 = arith.constant 8192 : i32
    %dma_start3A_31 = tpu.memref_slice %arg9[%dma_start3A_30] : memref<32768xf32, #tpu.memory_space<vmem>> -> memref<4096xf32, #tpu.memory_space<vmem>>
    %dma_start3A_32 = arith.constant 0 : i32
    %dma_start3A_33 = tpu.memref_slice %arg2[%dma_start3A_24, %dma_start3A_32] : memref<8x4096xf32, #tpu.memory_space<hbm>> -> memref<1x4096xf32, #tpu.memory_space<hbm>>
    %dma_start3A_34 = tpu.memref_squeeze %dma_start3A_33 : memref<1x4096xf32, #tpu.memory_space<hbm>> -> memref<4096xf32, #tpu.memory_space<hbm>>
    tpu.enqueue_dma source(%dma_start3A_34 : memref<4096xf32, #tpu.memory_space<hbm>>) target(%dma_start3A_31 : memref<4096xf32, #tpu.memory_space<vmem>>) target_semaphore(%arg19 : memref<!tpu.dma_semaphore, #tpu.memory_space<semaphore_mem>>)
    %dma_start3A_35 = arith.constant 3 : i32
    %dma_start3A_36 = arith.constant 12288 : i32
    %dma_start3A_37 = tpu.memref_slice %arg9[%dma_start3A_36] : memref<32768xf32, #tpu.memory_space<vmem>> -> memref<4096xf32, #tpu.memory_space<vmem>>
    %dma_start3A_38 = arith.constant 0 : i32
    %dma_start3A_39 = tpu.memref_slice %arg2[%dma_start3A_35, %dma_start3A_38] : memref<8x4096xf32, #tpu.memory_space<hbm>> -> memref<1x4096xf32, #tpu.memory_space<hbm>>
    %dma_start3A_40 = tpu.memref_squeeze %dma_start3A_39 : memref<1x4096xf32, #tpu.memory_space<hbm>> -> memref<4096xf32, #tpu.memory_space<hbm>>
    %dma_start3A_41 = arith.constant 12288 : i32
    %dma_start3A_42 = tpu.memref_slice %arg9[%dma_start3A_41] : memref<32768xf32, #tpu.memory_space<vmem>> -> memref<4096xf32, #tpu.memory_space<vmem>>
    %dma_start3A_43 = arith.constant 0 : i32
    %dma_start3A_44 = tpu.memref_slice %arg2[%dma_start3A_35, %dma_start3A_43] : memref<8x4096xf32, #tpu.memory_space<hbm>> -> memref<1x4096xf32, #tpu.memory_space<hbm>>
    %dma_start3A_45 = tpu.memref_squeeze %dma_start3A_44 : memref<1x4096xf32, #tpu.memory_space<hbm>> -> memref<4096xf32, #tpu.memory_space<hbm>>
    tpu.enqueue_dma source(%dma_start3A_45 : memref<4096xf32, #tpu.memory_space<hbm>>) target(%dma_start3A_42 : memref<4096xf32, #tpu.memory_space<vmem>>) target_semaphore(%arg19 : memref<!tpu.dma_semaphore, #tpu.memory_space<semaphore_mem>>)
    %dma_start3A_46 = arith.constant 4 : i32
    %dma_start3A_47 = arith.constant 16384 : i32
    %dma_start3A_48 = tpu.memref_slice %arg9[%dma_start3A_47] : memref<32768xf32, #tpu.memory_space<vmem>> -> memref<4096xf32, #tpu.memory_space<vmem>>
    %dma_start3A_49 = arith.constant 0 : i32
    %dma_start3A_50 = tpu.memref_slice %arg2[%dma_start3A_46, %dma_start3A_49] : memref<8x4096xf32, #tpu.memory_space<hbm>> -> memref<1x4096xf32, #tpu.memory_space<hbm>>
    %dma_start3A_51 = tpu.memref_squeeze %dma_start3A_50 : memref<1x4096xf32, #tpu.memory_space<hbm>> -> memref<4096xf32, #tpu.memory_space<hbm>>
    %dma_start3A_52 = arith.constant 16384 : i32
    %dma_start3A_53 = tpu.memref_slice %arg9[%dma_start3A_52] : memref<32768xf32, #tpu.memory_space<vmem>> -> memref<4096xf32, #tpu.memory_space<vmem>>
    %dma_start3A_54 = arith.constant 0 : i32
    %dma_start3A_55 = tpu.memref_slice %arg2[%dma_start3A_46, %dma_start3A_54] : memref<8x4096xf32, #tpu.memory_space<hbm>> -> memref<1x4096xf32, #tpu.memory_space<hbm>>
    %dma_start3A_56 = tpu.memref_squeeze %dma_start3A_55 : memref<1x4096xf32, #tpu.memory_space<hbm>> -> memref<4096xf32, #tpu.memory_space<hbm>>
    tpu.enqueue_dma source(%dma_start3A_56 : memref<4096xf32, #tpu.memory_space<hbm>>) target(%dma_start3A_53 : memref<4096xf32, #tpu.memory_space<vmem>>) target_semaphore(%arg19 : memref<!tpu.dma_semaphore, #tpu.memory_space<semaphore_mem>>)
    %dma_start3A_57 = arith.constant 5 : i32
    %dma_start3A_58 = arith.constant 20480 : i32
    %dma_start3A_59 = tpu.memref_slice %arg9[%dma_start3A_58] : memref<32768xf32, #tpu.memory_space<vmem>> -> memref<4096xf32, #tpu.memory_space<vmem>>
    %dma_start3A_60 = arith.constant 0 : i32
    %dma_start3A_61 = tpu.memref_slice %arg2[%dma_start3A_57, %dma_start3A_60] : memref<8x4096xf32, #tpu.memory_space<hbm>> -> memref<1x4096xf32, #tpu.memory_space<hbm>>
    %dma_start3A_62 = tpu.memref_squeeze %dma_start3A_61 : memref<1x4096xf32, #tpu.memory_space<hbm>> -> memref<4096xf32, #tpu.memory_space<hbm>>
    %dma_start3A_63 = arith.constant 20480 : i32
    %dma_start3A_64 = tpu.memref_slice %arg9[%dma_start3A_63] : memref<32768xf32, #tpu.memory_space<vmem>> -> memref<4096xf32, #tpu.memory_space<vmem>>
    %dma_start3A_65 = arith.constant 0 : i32
    %dma_start3A_66 = tpu.memref_slice %arg2[%dma_start3A_57, %dma_start3A_65] : memref<8x4096xf32, #tpu.memory_space<hbm>> -> memref<1x4096xf32, #tpu.memory_space<hbm>>
    %dma_start3A_67 = tpu.memref_squeeze %dma_start3A_66 : memref<1x4096xf32, #tpu.memory_space<hbm>> -> memref<4096xf32, #tpu.memory_space<hbm>>
    tpu.enqueue_dma source(%dma_start3A_67 : memref<4096xf32, #tpu.memory_space<hbm>>) target(%dma_start3A_64 : memref<4096xf32, #tpu.memory_space<vmem>>) target_semaphore(%arg19 : memref<!tpu.dma_semaphore, #tpu.memory_space<semaphore_mem>>)
    %dma_start3A_68 = arith.constant 6 : i32
    %dma_start3A_69 = arith.constant 24576 : i32
    %dma_start3A_70 = tpu.memref_slice %arg9[%dma_start3A_69] : memref<32768xf32, #tpu.memory_space<vmem>> -> memref<4096xf32, #tpu.memory_space<vmem>>
    %dma_start3A_71 = arith.constant 0 : i32
    %dma_start3A_72 = tpu.memref_slice %arg2[%dma_start3A_68, %dma_start3A_71] : memref<8x4096xf32, #tpu.memory_space<hbm>> -> memref<1x4096xf32, #tpu.memory_space<hbm>>
    %dma_start3A_73 = tpu.memref_squeeze %dma_start3A_72 : memref<1x4096xf32, #tpu.memory_space<hbm>> -> memref<4096xf32, #tpu.memory_space<hbm>>
    %dma_start3A_74 = arith.constant 24576 : i32
    %dma_start3A_75 = tpu.memref_slice %arg9[%dma_start3A_74] : memref<32768xf32, #tpu.memory_space<vmem>> -> memref<4096xf32, #tpu.memory_space<vmem>>
    %dma_start3A_76 = arith.constant 0 : i32
    %dma_start3A_77 = tpu.memref_slice %arg2[%dma_start3A_68, %dma_start3A_76] : memref<8x4096xf32, #tpu.memory_space<hbm>> -> memref<1x4096xf32, #tpu.memory_space<hbm>>
    %dma_start3A_78 = tpu.memref_squeeze %dma_start3A_77 : memref<1x4096xf32, #tpu.memory_space<hbm>> -> memref<4096xf32, #tpu.memory_space<hbm>>
    tpu.enqueue_dma source(%dma_start3A_78 : memref<4096xf32, #tpu.memory_space<hbm>>) target(%dma_start3A_75 : memref<4096xf32, #tpu.memory_space<vmem>>) target_semaphore(%arg19 : memref<!tpu.dma_semaphore, #tpu.memory_space<semaphore_mem>>)
    %dma_start3A_79 = arith.constant 7 : i32
    %dma_start3A_80 = arith.constant 28672 : i32
    %dma_start3A_81 = tpu.memref_slice %arg9[%dma_start3A_80] : memref<32768xf32, #tpu.memory_space<vmem>> -> memref<4096xf32, #tpu.memory_space<vmem>>
    %dma_start3A_82 = arith.constant 0 : i32
    %dma_start3A_83 = tpu.memref_slice %arg2[%dma_start3A_79, %dma_start3A_82] : memref<8x4096xf32, #tpu.memory_space<hbm>> -> memref<1x4096xf32, #tpu.memory_space<hbm>>
    %dma_start3A_84 = tpu.memref_squeeze %dma_start3A_83 : memref<1x4096xf32, #tpu.memory_space<hbm>> -> memref<4096xf32, #tpu.memory_space<hbm>>
    %dma_start3A_85 = arith.constant 28672 : i32
    %dma_start3A_86 = tpu.memref_slice %arg9[%dma_start3A_85] : memref<32768xf32, #tpu.memory_space<vmem>> -> memref<4096xf32, #tpu.memory_space<vmem>>
    %dma_start3A_87 = arith.constant 0 : i32
    %dma_start3A_88 = tpu.memref_slice %arg2[%dma_start3A_79, %dma_start3A_87] : memref<8x4096xf32, #tpu.memory_space<hbm>> -> memref<1x4096xf32, #tpu.memory_space<hbm>>
    %dma_start3A_89 = tpu.memref_squeeze %dma_start3A_88 : memref<1x4096xf32, #tpu.memory_space<hbm>> -> memref<4096xf32, #tpu.memory_space<hbm>>
    tpu.enqueue_dma source(%dma_start3A_89 : memref<4096xf32, #tpu.memory_space<hbm>>) target(%dma_start3A_86 : memref<4096xf32, #tpu.memory_space<vmem>>) target_semaphore(%arg19 : memref<!tpu.dma_semaphore, #tpu.memory_space<semaphore_mem>>)
    %dma_start3A_90 = tpu.memref_slice %arg3[%mul3A_2] : memref<32768xf32, #tpu.memory_space<hbm>> -> memref<1024xf32, #tpu.memory_space<hbm>>
    %dma_start3A_91 = tpu.memref_slice %arg3[%mul3A_2] : memref<32768xf32, #tpu.memory_space<hbm>> -> memref<1024xf32, #tpu.memory_space<hbm>>
    tpu.enqueue_dma source(%dma_start3A_91 : memref<1024xf32, #tpu.memory_space<hbm>>) target(%arg11 : memref<1024xf32, #tpu.memory_space<vmem>>) target_semaphore(%arg19 : memref<!tpu.dma_semaphore, #tpu.memory_space<semaphore_mem>>)
    %dma_start3A_92 = tpu.memref_slice %arg4[%mul3A_2] : memref<32768xf32, #tpu.memory_space<hbm>> -> memref<1024xf32, #tpu.memory_space<hbm>>
    %dma_start3A_93 = tpu.memref_slice %arg4[%mul3A_2] : memref<32768xf32, #tpu.memory_space<hbm>> -> memref<1024xf32, #tpu.memory_space<hbm>>
    tpu.enqueue_dma source(%dma_start3A_93 : memref<1024xf32, #tpu.memory_space<hbm>>) target(%arg12 : memref<1024xf32, #tpu.memory_space<vmem>>) target_semaphore(%arg19 : memref<!tpu.dma_semaphore, #tpu.memory_space<semaphore_mem>>)
    %dma_start3A_94 = tpu.memref_slice %arg5[%mul3A_2] : memref<32768xf32, #tpu.memory_space<hbm>> -> memref<1024xf32, #tpu.memory_space<hbm>>
    %dma_start3A_95 = tpu.memref_slice %arg5[%mul3A_2] : memref<32768xf32, #tpu.memory_space<hbm>> -> memref<1024xf32, #tpu.memory_space<hbm>>
    tpu.enqueue_dma source(%dma_start3A_95 : memref<1024xf32, #tpu.memory_space<hbm>>) target(%arg13 : memref<1024xf32, #tpu.memory_space<vmem>>) target_semaphore(%arg19 : memref<!tpu.dma_semaphore, #tpu.memory_space<semaphore_mem>>)
    %dma_start3A_96 = tpu.memref_slice %arg6[%mul3A_2] : memref<32768xf32, #tpu.memory_space<hbm>> -> memref<1024xf32, #tpu.memory_space<hbm>>
    %dma_start3A_97 = tpu.memref_slice %arg6[%mul3A_2] : memref<32768xf32, #tpu.memory_space<hbm>> -> memref<1024xf32, #tpu.memory_space<hbm>>
    tpu.enqueue_dma source(%dma_start3A_97 : memref<1024xf32, #tpu.memory_space<hbm>>) target(%arg14 : memref<1024xf32, #tpu.memory_space<vmem>>) target_semaphore(%arg19 : memref<!tpu.dma_semaphore, #tpu.memory_space<semaphore_mem>>)
    %dma_start3A_98 = tpu.memref_slice %arg7[%mul3A_2] : memref<32768xf32, #tpu.memory_space<hbm>> -> memref<1024xf32, #tpu.memory_space<hbm>>
    %dma_start3A_99 = tpu.memref_slice %arg7[%mul3A_2] : memref<32768xf32, #tpu.memory_space<hbm>> -> memref<1024xf32, #tpu.memory_space<hbm>>
    tpu.enqueue_dma source(%dma_start3A_99 : memref<1024xf32, #tpu.memory_space<hbm>>) target(%arg15 : memref<1024xf32, #tpu.memory_space<vmem>>) target_semaphore(%arg19 : memref<!tpu.dma_semaphore, #tpu.memory_space<semaphore_mem>>)
    %broadcast_in_dim3A = arith.constant 0.000000e+00 : f32
    %broadcast_in_dim3A_100 = vector.broadcast %broadcast_in_dim3A : f32 to vector<16xf32>
    %parallel_loop3A = arith.constant 0 : i32
    %parallel_loop3A_101 = arith.constant 8192 : i32
    %parallel_loop3A_102 = arith.constant 16 : i32
    scf.for %parallel_loop3A_240 = %parallel_loop3A to %parallel_loop3A_101 step %parallel_loop3A_102  : i32 {
      %parallel_loop3A_241 = arith.index_cast %parallel_loop3A_240 : i32 to index
      %parallel_loop3A_242 = tpu.vector_load %arg10[%parallel_loop3A_241] {strides = array<i32>} : memref<8192xf32, #tpu.memory_space<vmem>>, vector<16xf32>,
      tpu.vector_store %arg10[%parallel_loop3A_241], %broadcast_in_dim3A_100 {strides = array<i32>} : memref<8192xf32, #tpu.memory_space<vmem>>, vector<16xf32>,
    } {sc.loop_unroll_factor = 4 : i64, sc.parallel_access}
    %dma_wait3A = arith.constant 0 : i32
    %dma_wait3A_103 = arith.constant 0 : i32
    %dma_wait3A_104 = tpu.memref_slice %arg9[%dma_wait3A_103] : memref<32768xf32, #tpu.memory_space<vmem>> -> memref<4096xf32, #tpu.memory_space<vmem>>
    %dma_wait3A_105 = arith.constant 0 : i32
    %dma_wait3A_106 = tpu.memref_slice %arg2[%dma_wait3A, %dma_wait3A_105] : memref<8x4096xf32, #tpu.memory_space<hbm>> -> memref<1x4096xf32, #tpu.memory_space<hbm>>
    %dma_wait3A_107 = tpu.memref_squeeze %dma_wait3A_106 : memref<1x4096xf32, #tpu.memory_space<hbm>> -> memref<4096xf32, #tpu.memory_space<hbm>>
    %dma_wait3A_108 = arith.constant 0 : i32
    %dma_wait3A_109 = tpu.memref_slice %arg9[%dma_wait3A_108] : memref<32768xf32, #tpu.memory_space<vmem>> -> memref<4096xf32, #tpu.memory_space<vmem>>
    %dma_wait3A_110 = arith.constant 0 : i32
    %dma_wait3A_111 = tpu.memref_slice %arg2[%dma_wait3A, %dma_wait3A_110] : memref<8x4096xf32, #tpu.memory_space<hbm>> -> memref<1x4096xf32, #tpu.memory_space<hbm>>
    %dma_wait3A_112 = tpu.memref_squeeze %dma_wait3A_111 : memref<1x4096xf32, #tpu.memory_space<hbm>> -> memref<4096xf32, #tpu.memory_space<hbm>>
    tpu.wait_dma2 semaphore(%arg19 : memref<!tpu.dma_semaphore, #tpu.memory_space<semaphore_mem>>) src(%dma_wait3A_112 : memref<4096xf32, #tpu.memory_space<hbm>>) dst(%dma_wait3A_109 : memref<4096xf32, #tpu.memory_space<vmem>>)
    %dma_wait3A_113 = arith.constant 1 : i32
    %dma_wait3A_114 = arith.constant 4096 : i32
    %dma_wait3A_115 = tpu.memref_slice %arg9[%dma_wait3A_114] : memref<32768xf32, #tpu.memory_space<vmem>> -> memref<4096xf32, #tpu.memory_space<vmem>>
    %dma_wait3A_116 = arith.constant 0 : i32
    %dma_wait3A_117 = tpu.memref_slice %arg2[%dma_wait3A_113, %dma_wait3A_116] : memref<8x4096xf32, #tpu.memory_space<hbm>> -> memref<1x4096xf32, #tpu.memory_space<hbm>>
    %dma_wait3A_118 = tpu.memref_squeeze %dma_wait3A_117 : memref<1x4096xf32, #tpu.memory_space<hbm>> -> memref<4096xf32, #tpu.memory_space<hbm>>
    %dma_wait3A_119 = arith.constant 4096 : i32
    %dma_wait3A_120 = tpu.memref_slice %arg9[%dma_wait3A_119] : memref<32768xf32, #tpu.memory_space<vmem>> -> memref<4096xf32, #tpu.memory_space<vmem>>
    %dma_wait3A_121 = arith.constant 0 : i32
    %dma_wait3A_122 = tpu.memref_slice %arg2[%dma_wait3A_113, %dma_wait3A_121] : memref<8x4096xf32, #tpu.memory_space<hbm>> -> memref<1x4096xf32, #tpu.memory_space<hbm>>
    %dma_wait3A_123 = tpu.memref_squeeze %dma_wait3A_122 : memref<1x4096xf32, #tpu.memory_space<hbm>> -> memref<4096xf32, #tpu.memory_space<hbm>>
    tpu.wait_dma2 semaphore(%arg19 : memref<!tpu.dma_semaphore, #tpu.memory_space<semaphore_mem>>) src(%dma_wait3A_123 : memref<4096xf32, #tpu.memory_space<hbm>>) dst(%dma_wait3A_120 : memref<4096xf32, #tpu.memory_space<vmem>>)
    %dma_wait3A_124 = arith.constant 2 : i32
    %dma_wait3A_125 = arith.constant 8192 : i32
    %dma_wait3A_126 = tpu.memref_slice %arg9[%dma_wait3A_125] : memref<32768xf32, #tpu.memory_space<vmem>> -> memref<4096xf32, #tpu.memory_space<vmem>>
    %dma_wait3A_127 = arith.constant 0 : i32
    %dma_wait3A_128 = tpu.memref_slice %arg2[%dma_wait3A_124, %dma_wait3A_127] : memref<8x4096xf32, #tpu.memory_space<hbm>> -> memref<1x4096xf32, #tpu.memory_space<hbm>>
    %dma_wait3A_129 = tpu.memref_squeeze %dma_wait3A_128 : memref<1x4096xf32, #tpu.memory_space<hbm>> -> memref<4096xf32, #tpu.memory_space<hbm>>
    %dma_wait3A_130 = arith.constant 8192 : i32
    %dma_wait3A_131 = tpu.memref_slice %arg9[%dma_wait3A_130] : memref<32768xf32, #tpu.memory_space<vmem>> -> memref<4096xf32, #tpu.memory_space<vmem>>
    %dma_wait3A_132 = arith.constant 0 : i32
    %dma_wait3A_133 = tpu.memref_slice %arg2[%dma_wait3A_124, %dma_wait3A_132] : memref<8x4096xf32, #tpu.memory_space<hbm>> -> memref<1x4096xf32, #tpu.memory_space<hbm>>
    %dma_wait3A_134 = tpu.memref_squeeze %dma_wait3A_133 : memref<1x4096xf32, #tpu.memory_space<hbm>> -> memref<4096xf32, #tpu.memory_space<hbm>>
    tpu.wait_dma2 semaphore(%arg19 : memref<!tpu.dma_semaphore, #tpu.memory_space<semaphore_mem>>) src(%dma_wait3A_134 : memref<4096xf32, #tpu.memory_space<hbm>>) dst(%dma_wait3A_131 : memref<4096xf32, #tpu.memory_space<vmem>>)
    %dma_wait3A_135 = arith.constant 3 : i32
    %dma_wait3A_136 = arith.constant 12288 : i32
    %dma_wait3A_137 = tpu.memref_slice %arg9[%dma_wait3A_136] : memref<32768xf32, #tpu.memory_space<vmem>> -> memref<4096xf32, #tpu.memory_space<vmem>>
    %dma_wait3A_138 = arith.constant 0 : i32
    %dma_wait3A_139 = tpu.memref_slice %arg2[%dma_wait3A_135, %dma_wait3A_138] : memref<8x4096xf32, #tpu.memory_space<hbm>> -> memref<1x4096xf32, #tpu.memory_space<hbm>>
    %dma_wait3A_140 = tpu.memref_squeeze %dma_wait3A_139 : memref<1x4096xf32, #tpu.memory_space<hbm>> -> memref<4096xf32, #tpu.memory_space<hbm>>
    %dma_wait3A_141 = arith.constant 12288 : i32
    %dma_wait3A_142 = tpu.memref_slice %arg9[%dma_wait3A_141] : memref<32768xf32, #tpu.memory_space<vmem>> -> memref<4096xf32, #tpu.memory_space<vmem>>
    %dma_wait3A_143 = arith.constant 0 : i32
    %dma_wait3A_144 = tpu.memref_slice %arg2[%dma_wait3A_135, %dma_wait3A_143] : memref<8x4096xf32, #tpu.memory_space<hbm>> -> memref<1x4096xf32, #tpu.memory_space<hbm>>
    %dma_wait3A_145 = tpu.memref_squeeze %dma_wait3A_144 : memref<1x4096xf32, #tpu.memory_space<hbm>> -> memref<4096xf32, #tpu.memory_space<hbm>>
    tpu.wait_dma2 semaphore(%arg19 : memref<!tpu.dma_semaphore, #tpu.memory_space<semaphore_mem>>) src(%dma_wait3A_145 : memref<4096xf32, #tpu.memory_space<hbm>>) dst(%dma_wait3A_142 : memref<4096xf32, #tpu.memory_space<vmem>>)
    %dma_wait3A_146 = arith.constant 4 : i32
    %dma_wait3A_147 = arith.constant 16384 : i32
    %dma_wait3A_148 = tpu.memref_slice %arg9[%dma_wait3A_147] : memref<32768xf32, #tpu.memory_space<vmem>> -> memref<4096xf32, #tpu.memory_space<vmem>>
    %dma_wait3A_149 = arith.constant 0 : i32
    %dma_wait3A_150 = tpu.memref_slice %arg2[%dma_wait3A_146, %dma_wait3A_149] : memref<8x4096xf32, #tpu.memory_space<hbm>> -> memref<1x4096xf32, #tpu.memory_space<hbm>>
    %dma_wait3A_151 = tpu.memref_squeeze %dma_wait3A_150 : memref<1x4096xf32, #tpu.memory_space<hbm>> -> memref<4096xf32, #tpu.memory_space<hbm>>
    %dma_wait3A_152 = arith.constant 16384 : i32
    %dma_wait3A_153 = tpu.memref_slice %arg9[%dma_wait3A_152] : memref<32768xf32, #tpu.memory_space<vmem>> -> memref<4096xf32, #tpu.memory_space<vmem>>
    %dma_wait3A_154 = arith.constant 0 : i32
    %dma_wait3A_155 = tpu.memref_slice %arg2[%dma_wait3A_146, %dma_wait3A_154] : memref<8x4096xf32, #tpu.memory_space<hbm>> -> memref<1x4096xf32, #tpu.memory_space<hbm>>
    %dma_wait3A_156 = tpu.memref_squeeze %dma_wait3A_155 : memref<1x4096xf32, #tpu.memory_space<hbm>> -> memref<4096xf32, #tpu.memory_space<hbm>>
    tpu.wait_dma2 semaphore(%arg19 : memref<!tpu.dma_semaphore, #tpu.memory_space<semaphore_mem>>) src(%dma_wait3A_156 : memref<4096xf32, #tpu.memory_space<hbm>>) dst(%dma_wait3A_153 : memref<4096xf32, #tpu.memory_space<vmem>>)
    %dma_wait3A_157 = arith.constant 5 : i32
    %dma_wait3A_158 = arith.constant 20480 : i32
    %dma_wait3A_159 = tpu.memref_slice %arg9[%dma_wait3A_158] : memref<32768xf32, #tpu.memory_space<vmem>> -> memref<4096xf32, #tpu.memory_space<vmem>>
    %dma_wait3A_160 = arith.constant 0 : i32
    %dma_wait3A_161 = tpu.memref_slice %arg2[%dma_wait3A_157, %dma_wait3A_160] : memref<8x4096xf32, #tpu.memory_space<hbm>> -> memref<1x4096xf32, #tpu.memory_space<hbm>>
    %dma_wait3A_162 = tpu.memref_squeeze %dma_wait3A_161 : memref<1x4096xf32, #tpu.memory_space<hbm>> -> memref<4096xf32, #tpu.memory_space<hbm>>
    %dma_wait3A_163 = arith.constant 20480 : i32
    %dma_wait3A_164 = tpu.memref_slice %arg9[%dma_wait3A_163] : memref<32768xf32, #tpu.memory_space<vmem>> -> memref<4096xf32, #tpu.memory_space<vmem>>
    %dma_wait3A_165 = arith.constant 0 : i32
    %dma_wait3A_166 = tpu.memref_slice %arg2[%dma_wait3A_157, %dma_wait3A_165] : memref<8x4096xf32, #tpu.memory_space<hbm>> -> memref<1x4096xf32, #tpu.memory_space<hbm>>
    %dma_wait3A_167 = tpu.memref_squeeze %dma_wait3A_166 : memref<1x4096xf32, #tpu.memory_space<hbm>> -> memref<4096xf32, #tpu.memory_space<hbm>>
    tpu.wait_dma2 semaphore(%arg19 : memref<!tpu.dma_semaphore, #tpu.memory_space<semaphore_mem>>) src(%dma_wait3A_167 : memref<4096xf32, #tpu.memory_space<hbm>>) dst(%dma_wait3A_164 : memref<4096xf32, #tpu.memory_space<vmem>>)
    %dma_wait3A_168 = arith.constant 6 : i32
    %dma_wait3A_169 = arith.constant 24576 : i32
    %dma_wait3A_170 = tpu.memref_slice %arg9[%dma_wait3A_169] : memref<32768xf32, #tpu.memory_space<vmem>> -> memref<4096xf32, #tpu.memory_space<vmem>>
    %dma_wait3A_171 = arith.constant 0 : i32
    %dma_wait3A_172 = tpu.memref_slice %arg2[%dma_wait3A_168, %dma_wait3A_171] : memref<8x4096xf32, #tpu.memory_space<hbm>> -> memref<1x4096xf32, #tpu.memory_space<hbm>>
    %dma_wait3A_173 = tpu.memref_squeeze %dma_wait3A_172 : memref<1x4096xf32, #tpu.memory_space<hbm>> -> memref<4096xf32, #tpu.memory_space<hbm>>
    %dma_wait3A_174 = arith.constant 24576 : i32
    %dma_wait3A_175 = tpu.memref_slice %arg9[%dma_wait3A_174] : memref<32768xf32, #tpu.memory_space<vmem>> -> memref<4096xf32, #tpu.memory_space<vmem>>
    %dma_wait3A_176 = arith.constant 0 : i32
    %dma_wait3A_177 = tpu.memref_slice %arg2[%dma_wait3A_168, %dma_wait3A_176] : memref<8x4096xf32, #tpu.memory_space<hbm>> -> memref<1x4096xf32, #tpu.memory_space<hbm>>
    %dma_wait3A_178 = tpu.memref_squeeze %dma_wait3A_177 : memref<1x4096xf32, #tpu.memory_space<hbm>> -> memref<4096xf32, #tpu.memory_space<hbm>>
    tpu.wait_dma2 semaphore(%arg19 : memref<!tpu.dma_semaphore, #tpu.memory_space<semaphore_mem>>) src(%dma_wait3A_178 : memref<4096xf32, #tpu.memory_space<hbm>>) dst(%dma_wait3A_175 : memref<4096xf32, #tpu.memory_space<vmem>>)
    %dma_wait3A_179 = arith.constant 7 : i32
    %dma_wait3A_180 = arith.constant 28672 : i32
    %dma_wait3A_181 = tpu.memref_slice %arg9[%dma_wait3A_180] : memref<32768xf32, #tpu.memory_space<vmem>> -> memref<4096xf32, #tpu.memory_space<vmem>>
    %dma_wait3A_182 = arith.constant 0 : i32
    %dma_wait3A_183 = tpu.memref_slice %arg2[%dma_wait3A_179, %dma_wait3A_182] : memref<8x4096xf32, #tpu.memory_space<hbm>> -> memref<1x4096xf32, #tpu.memory_space<hbm>>
    %dma_wait3A_184 = tpu.memref_squeeze %dma_wait3A_183 : memref<1x4096xf32, #tpu.memory_space<hbm>> -> memref<4096xf32, #tpu.memory_space<hbm>>
    %dma_wait3A_185 = arith.constant 28672 : i32
    %dma_wait3A_186 = tpu.memref_slice %arg9[%dma_wait3A_185] : memref<32768xf32, #tpu.memory_space<vmem>> -> memref<4096xf32, #tpu.memory_space<vmem>>
    %dma_wait3A_187 = arith.constant 0 : i32
    %dma_wait3A_188 = tpu.memref_slice %arg2[%dma_wait3A_179, %dma_wait3A_187] : memref<8x4096xf32, #tpu.memory_space<hbm>> -> memref<1x4096xf32, #tpu.memory_space<hbm>>
    %dma_wait3A_189 = tpu.memref_squeeze %dma_wait3A_188 : memref<1x4096xf32, #tpu.memory_space<hbm>> -> memref<4096xf32, #tpu.memory_space<hbm>>
    tpu.wait_dma2 semaphore(%arg19 : memref<!tpu.dma_semaphore, #tpu.memory_space<semaphore_mem>>) src(%dma_wait3A_189 : memref<4096xf32, #tpu.memory_space<hbm>>) dst(%dma_wait3A_186 : memref<4096xf32, #tpu.memory_space<vmem>>)
    %dma_wait3A_190 = tpu.memref_slice %arg3[%mul3A_2] : memref<32768xf32, #tpu.memory_space<hbm>> -> memref<1024xf32, #tpu.memory_space<hbm>>
    %dma_wait3A_191 = tpu.memref_slice %arg3[%mul3A_2] : memref<32768xf32, #tpu.memory_space<hbm>> -> memref<1024xf32, #tpu.memory_space<hbm>>
    tpu.wait_dma2 semaphore(%arg19 : memref<!tpu.dma_semaphore, #tpu.memory_space<semaphore_mem>>) src(%dma_wait3A_191 : memref<1024xf32, #tpu.memory_space<hbm>>) dst(%arg11 : memref<1024xf32, #tpu.memory_space<vmem>>)
    %dma_wait3A_192 = tpu.memref_slice %arg4[%mul3A_2] : memref<32768xf32, #tpu.memory_space<hbm>> -> memref<1024xf32, #tpu.memory_space<hbm>>
    %dma_wait3A_193 = tpu.memref_slice %arg4[%mul3A_2] : memref<32768xf32, #tpu.memory_space<hbm>> -> memref<1024xf32, #tpu.memory_space<hbm>>
    tpu.wait_dma2 semaphore(%arg19 : memref<!tpu.dma_semaphore, #tpu.memory_space<semaphore_mem>>) src(%dma_wait3A_193 : memref<1024xf32, #tpu.memory_space<hbm>>) dst(%arg12 : memref<1024xf32, #tpu.memory_space<vmem>>)
    %dma_wait3A_194 = tpu.memref_slice %arg5[%mul3A_2] : memref<32768xf32, #tpu.memory_space<hbm>> -> memref<1024xf32, #tpu.memory_space<hbm>>
    %dma_wait3A_195 = tpu.memref_slice %arg5[%mul3A_2] : memref<32768xf32, #tpu.memory_space<hbm>> -> memref<1024xf32, #tpu.memory_space<hbm>>
    tpu.wait_dma2 semaphore(%arg19 : memref<!tpu.dma_semaphore, #tpu.memory_space<semaphore_mem>>) src(%dma_wait3A_195 : memref<1024xf32, #tpu.memory_space<hbm>>) dst(%arg13 : memref<1024xf32, #tpu.memory_space<vmem>>)
    %dma_wait3A_196 = tpu.memref_slice %arg6[%mul3A_2] : memref<32768xf32, #tpu.memory_space<hbm>> -> memref<1024xf32, #tpu.memory_space<hbm>>
    %dma_wait3A_197 = tpu.memref_slice %arg6[%mul3A_2] : memref<32768xf32, #tpu.memory_space<hbm>> -> memref<1024xf32, #tpu.memory_space<hbm>>
    tpu.wait_dma2 semaphore(%arg19 : memref<!tpu.dma_semaphore, #tpu.memory_space<semaphore_mem>>) src(%dma_wait3A_197 : memref<1024xf32, #tpu.memory_space<hbm>>) dst(%arg14 : memref<1024xf32, #tpu.memory_space<vmem>>)
    %dma_wait3A_198 = tpu.memref_slice %arg7[%mul3A_2] : memref<32768xf32, #tpu.memory_space<hbm>> -> memref<1024xf32, #tpu.memory_space<hbm>>
    %dma_wait3A_199 = tpu.memref_slice %arg7[%mul3A_2] : memref<32768xf32, #tpu.memory_space<hbm>> -> memref<1024xf32, #tpu.memory_space<hbm>>
    tpu.wait_dma2 semaphore(%arg19 : memref<!tpu.dma_semaphore, #tpu.memory_space<semaphore_mem>>) src(%dma_wait3A_199 : memref<1024xf32, #tpu.memory_space<hbm>>) dst(%arg15 : memref<1024xf32, #tpu.memory_space<vmem>>)
    %parallel_loop3A_200 = arith.constant 0 : i32
    %parallel_loop3A_201 = arith.constant 1024 : i32
    %parallel_loop3A_202 = arith.constant 16 : i32
    scf.for %parallel_loop3A_240 = %parallel_loop3A_200 to %parallel_loop3A_201 step %parallel_loop3A_202  : i32 {
      %parallel_loop3A_241 = arith.index_cast %parallel_loop3A_240 : i32 to index
      %parallel_loop3A_242 = tpu.vector_load %arg11[%parallel_loop3A_241] {strides = array<i32>} : memref<1024xf32, #tpu.memory_space<vmem>>, vector<16xf32>,
      %parallel_loop3A_243 = arith.index_cast %parallel_loop3A_240 : i32 to index
      %parallel_loop3A_244 = tpu.vector_load %arg12[%parallel_loop3A_243] {strides = array<i32>} : memref<1024xf32, #tpu.memory_space<vmem>>, vector<16xf32>,
      %parallel_loop3A_245 = arith.index_cast %parallel_loop3A_240 : i32 to index
      %parallel_loop3A_246 = tpu.vector_load %arg13[%parallel_loop3A_245] {strides = array<i32>} : memref<1024xf32, #tpu.memory_space<vmem>>, vector<16xf32>,
      %parallel_loop3A_247 = arith.index_cast %parallel_loop3A_240 : i32 to index
      %parallel_loop3A_248 = tpu.vector_load %arg14[%parallel_loop3A_247] {strides = array<i32>} : memref<1024xf32, #tpu.memory_space<vmem>>, vector<16xf32>,
      %parallel_loop3A_249 = arith.index_cast %parallel_loop3A_240 : i32 to index
      %parallel_loop3A_250 = tpu.vector_load %arg15[%parallel_loop3A_249] {strides = array<i32>} : memref<1024xf32, #tpu.memory_space<vmem>>, vector<16xf32>,
      %parallel_loop3A_251 = arith.fptosi %parallel_loop3A_242 : vector<16xf32> to vector<16xi32>
      %parallel_loop3A_252 = arith.sitofp %parallel_loop3A_251 : vector<16xi32> to vector<16xf32>
      %parallel_loop3A_253 = arith.cmpf oeq, %parallel_loop3A_252, %parallel_loop3A_242 : vector<16xf32>
      %parallel_loop3A_254 = arith.constant 1 : i32
      %parallel_loop3A_255 = vector.broadcast %parallel_loop3A_254 : i32 to vector<16xi32>
      %parallel_loop3A_256 = arith.addi %parallel_loop3A_251, %parallel_loop3A_255 : vector<16xi32>
      %parallel_loop3A_257 = arith.select %parallel_loop3A_253, %parallel_loop3A_251, %parallel_loop3A_256 : vector<16xi1>, vector<16xi32>
      %parallel_loop3A_258 = arith.sitofp %parallel_loop3A_257 : vector<16xi32> to vector<16xf32>
      %parallel_loop3A_259 = arith.fptosi %parallel_loop3A_244 : vector<16xf32> to vector<16xi32>
      %parallel_loop3A_260 = arith.sitofp %parallel_loop3A_259 : vector<16xi32> to vector<16xf32>
      %parallel_loop3A_261 = arith.cmpf oeq, %parallel_loop3A_260, %parallel_loop3A_244 : vector<16xf32>
      %parallel_loop3A_262 = arith.constant 1 : i32
      %parallel_loop3A_263 = vector.broadcast %parallel_loop3A_262 : i32 to vector<16xi32>
      %parallel_loop3A_264 = arith.addi %parallel_loop3A_259, %parallel_loop3A_263 : vector<16xi32>
      %parallel_loop3A_265 = arith.select %parallel_loop3A_261, %parallel_loop3A_259, %parallel_loop3A_264 : vector<16xi1>, vector<16xi32>
      %parallel_loop3A_266 = arith.sitofp %parallel_loop3A_265 : vector<16xi32> to vector<16xf32>
      %parallel_loop3A_267 = arith.constant 9.99999997E-7 : f32
      %parallel_loop3A_268 = vector.broadcast %parallel_loop3A_267 : f32 to vector<16xf32>
      %parallel_loop3A_269 = arith.addf %parallel_loop3A_268, %parallel_loop3A_246 : vector<16xf32>
      %parallel_loop3A_270 = arith.constant 1.000000e+00 : f32
      %parallel_loop3A_271 = vector.broadcast %parallel_loop3A_270 : f32 to vector<16xf32>
      %parallel_loop3A_272 = arith.divf %parallel_loop3A_271, %parallel_loop3A_269 : vector<16xf32>
      %parallel_loop3A_273 = arith.constant 9.99999997E-7 : f32
      %parallel_loop3A_274 = vector.broadcast %parallel_loop3A_273 : f32 to vector<16xf32>
      %parallel_loop3A_275 = arith.addf %parallel_loop3A_274, %parallel_loop3A_248 : vector<16xf32>
      %parallel_loop3A_276 = arith.constant 1.000000e+00 : f32
      %parallel_loop3A_277 = vector.broadcast %parallel_loop3A_276 : f32 to vector<16xf32>
      %parallel_loop3A_278 = arith.divf %parallel_loop3A_277, %parallel_loop3A_275 : vector<16xf32>
      %parallel_loop3A_279 = arith.subf %parallel_loop3A_252, %parallel_loop3A_242 : vector<16xf32>
      %parallel_loop3A_280 = arith.mulf %parallel_loop3A_279, %parallel_loop3A_279 : vector<16xf32>
      %parallel_loop3A_281 = arith.mulf %parallel_loop3A_280, %parallel_loop3A_272 : vector<16xf32>
      %parallel_loop3A_282 = arith.subf %parallel_loop3A_258, %parallel_loop3A_242 : vector<16xf32>
      %parallel_loop3A_283 = arith.mulf %parallel_loop3A_282, %parallel_loop3A_282 : vector<16xf32>
      %parallel_loop3A_284 = arith.mulf %parallel_loop3A_283, %parallel_loop3A_272 : vector<16xf32>
      %parallel_loop3A_285 = arith.subf %parallel_loop3A_260, %parallel_loop3A_244 : vector<16xf32>
      %parallel_loop3A_286 = arith.mulf %parallel_loop3A_285, %parallel_loop3A_285 : vector<16xf32>
      %parallel_loop3A_287 = arith.mulf %parallel_loop3A_286, %parallel_loop3A_278 : vector<16xf32>
      %parallel_loop3A_288 = arith.subf %parallel_loop3A_266, %parallel_loop3A_244 : vector<16xf32>
      %parallel_loop3A_289 = arith.mulf %parallel_loop3A_288, %parallel_loop3A_288 : vector<16xf32>
      %parallel_loop3A_290 = arith.mulf %parallel_loop3A_289, %parallel_loop3A_278 : vector<16xf32>
      %parallel_loop3A_291 = arith.addf %parallel_loop3A_281, %parallel_loop3A_287 : vector<16xf32>
      %parallel_loop3A_292 = arith.constant -5.000000e-01 : f32
      %parallel_loop3A_293 = vector.broadcast %parallel_loop3A_292 : f32 to vector<16xf32>
      %parallel_loop3A_294 = arith.mulf %parallel_loop3A_293, %parallel_loop3A_291 : vector<16xf32>
      %parallel_loop3A_295 = math.exp %parallel_loop3A_294 : vector<16xf32>
      %parallel_loop3A_296 = arith.addf %parallel_loop3A_281, %parallel_loop3A_290 : vector<16xf32>
      %parallel_loop3A_297 = arith.constant -5.000000e-01 : f32
      %parallel_loop3A_298 = vector.broadcast %parallel_loop3A_297 : f32 to vector<16xf32>
      %parallel_loop3A_299 = arith.mulf %parallel_loop3A_298, %parallel_loop3A_296 : vector<16xf32>
      %parallel_loop3A_300 = math.exp %parallel_loop3A_299 : vector<16xf32>
      %parallel_loop3A_301 = arith.addf %parallel_loop3A_284, %parallel_loop3A_287 : vector<16xf32>
      %parallel_loop3A_302 = arith.constant -5.000000e-01 : f32
      %parallel_loop3A_303 = vector.broadcast %parallel_loop3A_302 : f32 to vector<16xf32>
      %parallel_loop3A_304 = arith.mulf %parallel_loop3A_303, %parallel_loop3A_301 : vector<16xf32>
      %parallel_loop3A_305 = math.exp %parallel_loop3A_304 : vector<16xf32>
      %parallel_loop3A_306 = arith.addf %parallel_loop3A_284, %parallel_loop3A_290 : vector<16xf32>
      %parallel_loop3A_307 = arith.constant -5.000000e-01 : f32
      %parallel_loop3A_308 = vector.broadcast %parallel_loop3A_307 : f32 to vector<16xf32>
      %parallel_loop3A_309 = arith.mulf %parallel_loop3A_308, %parallel_loop3A_306 : vector<16xf32>
      %parallel_loop3A_310 = math.exp %parallel_loop3A_309 : vector<16xf32>
      %parallel_loop3A_311 = arith.addf %parallel_loop3A_295, %parallel_loop3A_300 : vector<16xf32>
      %parallel_loop3A_312 = arith.addf %parallel_loop3A_311, %parallel_loop3A_305 : vector<16xf32>
      %parallel_loop3A_313 = arith.addf %parallel_loop3A_312, %parallel_loop3A_310 : vector<16xf32>
      %parallel_loop3A_314 = arith.constant 9.99999997E-7 : f32
      %parallel_loop3A_315 = vector.broadcast %parallel_loop3A_314 : f32 to vector<16xf32>
      %parallel_loop3A_316 = arith.addf %parallel_loop3A_313, %parallel_loop3A_315 : vector<16xf32>
      %parallel_loop3A_317 = arith.divf %parallel_loop3A_250, %parallel_loop3A_316 : vector<16xf32>
      %parallel_loop3A_318 = arith.mulf %parallel_loop3A_295, %parallel_loop3A_317 : vector<16xf32>
      %parallel_loop3A_319 = arith.mulf %parallel_loop3A_300, %parallel_loop3A_317 : vector<16xf32>
      %parallel_loop3A_320 = arith.mulf %parallel_loop3A_305, %parallel_loop3A_317 : vector<16xf32>
      %parallel_loop3A_321 = arith.mulf %parallel_loop3A_310, %parallel_loop3A_317 : vector<16xf32>
      %parallel_loop3A_322 = arith.constant 0 : i32
      %parallel_loop3A_323 = vector.broadcast %parallel_loop3A_322 : i32 to vector<16xi32>
      %parallel_loop3A_324 = arith.maxsi %parallel_loop3A_251, %parallel_loop3A_323 : vector<16xi32>
      %parallel_loop3A_325 = arith.constant 1023 : i32
      %parallel_loop3A_326 = vector.broadcast %parallel_loop3A_325 : i32 to vector<16xi32>
      %parallel_loop3A_327 = arith.minsi %parallel_loop3A_324, %parallel_loop3A_326 : vector<16xi32>
      %parallel_loop3A_328 = arith.constant 0 : i32
      %parallel_loop3A_329 = vector.broadcast %parallel_loop3A_328 : i32 to vector<16xi32>
      %parallel_loop3A_330 = arith.maxsi %parallel_loop3A_257, %parallel_loop3A_329 : vector<16xi32>
      %parallel_loop3A_331 = arith.constant 1023 : i32
      %parallel_loop3A_332 = vector.broadcast %parallel_loop3A_331 : i32 to vector<16xi32>
      %parallel_loop3A_333 = arith.minsi %parallel_loop3A_330, %parallel_loop3A_332 : vector<16xi32>
      %parallel_loop3A_334 = arith.constant 0 : i32
      %parallel_loop3A_335 = vector.broadcast %parallel_loop3A_334 : i32 to vector<16xi32>
      %parallel_loop3A_336 = arith.maxsi %parallel_loop3A_259, %parallel_loop3A_335 : vector<16xi32>
      %parallel_loop3A_337 = arith.constant 4095 : i32
      %parallel_loop3A_338 = vector.broadcast %parallel_loop3A_337 : i32 to vector<16xi32>
      %parallel_loop3A_339 = arith.minsi %parallel_loop3A_336, %parallel_loop3A_338 : vector<16xi32>
      %parallel_loop3A_340 = arith.constant 0 : i32
      %parallel_loop3A_341 = vector.broadcast %parallel_loop3A_340 : i32 to vector<16xi32>
      %parallel_loop3A_342 = arith.maxsi %parallel_loop3A_265, %parallel_loop3A_341 : vector<16xi32>
      %parallel_loop3A_343 = arith.constant 4095 : i32
      %parallel_loop3A_344 = vector.broadcast %parallel_loop3A_343 : i32 to vector<16xi32>
      %parallel_loop3A_345 = arith.minsi %parallel_loop3A_342, %parallel_loop3A_344 : vector<16xi32>
      %parallel_loop3A_346 = arith.constant 0 : i32
      %parallel_loop3A_347 = vector.broadcast %parallel_loop3A_346 : i32 to vector<16xi32>
      %parallel_loop3A_348 = arith.addi %parallel_loop3A_339, %parallel_loop3A_347 : vector<16xi32>
      %parallel_loop3A_349 = tpu.vector_load_idx %arg9[%parallel_loop3A_348] : memref<32768xf32, #tpu.memory_space<vmem>>[vector<16xi32>], vector<16xf32>,
      %parallel_loop3A_350 = arith.constant 0 : i32
      %parallel_loop3A_351 = vector.broadcast %parallel_loop3A_350 : i32 to vector<16xi32>
      %parallel_loop3A_352 = arith.addi %parallel_loop3A_345, %parallel_loop3A_351 : vector<16xi32>
      %parallel_loop3A_353 = tpu.vector_load_idx %arg9[%parallel_loop3A_352] : memref<32768xf32, #tpu.memory_space<vmem>>[vector<16xi32>], vector<16xf32>,
      %parallel_loop3A_354 = arith.constant 0 : i32
      %parallel_loop3A_355 = vector.broadcast %parallel_loop3A_354 : i32 to vector<16xi32>
      %parallel_loop3A_356 = arith.addi %parallel_loop3A_327, %parallel_loop3A_355 : vector<16xi32>
      %parallel_loop3A_357 = arith.mulf %parallel_loop3A_318, %parallel_loop3A_349 : vector<16xf32>
      %parallel_loop3A_358 = arith.mulf %parallel_loop3A_319, %parallel_loop3A_353 : vector<16xf32>
      %parallel_loop3A_359 = arith.addf %parallel_loop3A_357, %parallel_loop3A_358 : vector<16xf32>
      tpu.vector_store_idx %arg10[%parallel_loop3A_356], %parallel_loop3A_359 {add = true} : memref<8192xf32, #tpu.memory_space<vmem>>[vector<16xi32>], vector<16xf32>,
      %parallel_loop3A_360 = arith.constant 0 : i32
      %parallel_loop3A_361 = vector.broadcast %parallel_loop3A_360 : i32 to vector<16xi32>
      %parallel_loop3A_362 = arith.addi %parallel_loop3A_333, %parallel_loop3A_361 : vector<16xi32>
      %parallel_loop3A_363 = arith.mulf %parallel_loop3A_320, %parallel_loop3A_349 : vector<16xf32>
      %parallel_loop3A_364 = arith.mulf %parallel_loop3A_321, %parallel_loop3A_353 : vector<16xf32>
      %parallel_loop3A_365 = arith.addf %parallel_loop3A_363, %parallel_loop3A_364 : vector<16xf32>
      tpu.vector_store_idx %arg10[%parallel_loop3A_362], %parallel_loop3A_365 {add = true} : memref<8192xf32, #tpu.memory_space<vmem>>[vector<16xi32>], vector<16xf32>,
      %parallel_loop3A_366 = arith.constant 4096 : i32
      %parallel_loop3A_367 = vector.broadcast %parallel_loop3A_366 : i32 to vector<16xi32>
      %parallel_loop3A_368 = arith.addi %parallel_loop3A_339, %parallel_loop3A_367 : vector<16xi32>
      %parallel_loop3A_369 = tpu.vector_load_idx %arg9[%parallel_loop3A_368] : memref<32768xf32, #tpu.memory_space<vmem>>[vector<16xi32>], vector<16xf32>,
      %parallel_loop3A_370 = arith.constant 4096 : i32
      %parallel_loop3A_371 = vector.broadcast %parallel_loop3A_370 : i32 to vector<16xi32>
      %parallel_loop3A_372 = arith.addi %parallel_loop3A_345, %parallel_loop3A_371 : vector<16xi32>
      %parallel_loop3A_373 = tpu.vector_load_idx %arg9[%parallel_loop3A_372] : memref<32768xf32, #tpu.memory_space<vmem>>[vector<16xi32>], vector<16xf32>,
      %parallel_loop3A_374 = arith.constant 1024 : i32
      %parallel_loop3A_375 = vector.broadcast %parallel_loop3A_374 : i32 to vector<16xi32>
      %parallel_loop3A_376 = arith.addi %parallel_loop3A_327, %parallel_loop3A_375 : vector<16xi32>
      %parallel_loop3A_377 = arith.mulf %parallel_loop3A_318, %parallel_loop3A_369 : vector<16xf32>
      %parallel_loop3A_378 = arith.mulf %parallel_loop3A_319, %parallel_loop3A_373 : vector<16xf32>
      %parallel_loop3A_379 = arith.addf %parallel_loop3A_377, %parallel_loop3A_378 : vector<16xf32>
      tpu.vector_store_idx %arg10[%parallel_loop3A_376], %parallel_loop3A_379 {add = true} : memref<8192xf32, #tpu.memory_space<vmem>>[vector<16xi32>], vector<16xf32>,
      %parallel_loop3A_380 = arith.constant 1024 : i32
      %parallel_loop3A_381 = vector.broadcast %parallel_loop3A_380 : i32 to vector<16xi32>
      %parallel_loop3A_382 = arith.addi %parallel_loop3A_333, %parallel_loop3A_381 : vector<16xi32>
      %parallel_loop3A_383 = arith.mulf %parallel_loop3A_320, %parallel_loop3A_369 : vector<16xf32>
      %parallel_loop3A_384 = arith.mulf %parallel_loop3A_321, %parallel_loop3A_373 : vector<16xf32>
      %parallel_loop3A_385 = arith.addf %parallel_loop3A_383, %parallel_loop3A_384 : vector<16xf32>
      tpu.vector_store_idx %arg10[%parallel_loop3A_382], %parallel_loop3A_385 {add = true} : memref<8192xf32, #tpu.memory_space<vmem>>[vector<16xi32>], vector<16xf32>,
      %parallel_loop3A_386 = arith.constant 8192 : i32
      %parallel_loop3A_387 = vector.broadcast %parallel_loop3A_386 : i32 to vector<16xi32>
      %parallel_loop3A_388 = arith.addi %parallel_loop3A_339, %parallel_loop3A_387 : vector<16xi32>
      %parallel_loop3A_389 = tpu.vector_load_idx %arg9[%parallel_loop3A_388] : memref<32768xf32, #tpu.memory_space<vmem>>[vector<16xi32>], vector<16xf32>,
      %parallel_loop3A_390 = arith.constant 8192 : i32
      %parallel_loop3A_391 = vector.broadcast %parallel_loop3A_390 : i32 to vector<16xi32>
      %parallel_loop3A_392 = arith.addi %parallel_loop3A_345, %parallel_loop3A_391 : vector<16xi32>
      %parallel_loop3A_393 = tpu.vector_load_idx %arg9[%parallel_loop3A_392] : memref<32768xf32, #tpu.memory_space<vmem>>[vector<16xi32>], vector<16xf32>,
      %parallel_loop3A_394 = arith.constant 2048 : i32
      %parallel_loop3A_395 = vector.broadcast %parallel_loop3A_394 : i32 to vector<16xi32>
      %parallel_loop3A_396 = arith.addi %parallel_loop3A_327, %parallel_loop3A_395 : vector<16xi32>
      %parallel_loop3A_397 = arith.mulf %parallel_loop3A_318, %parallel_loop3A_389 : vector<16xf32>
      %parallel_loop3A_398 = arith.mulf %parallel_loop3A_319, %parallel_loop3A_393 : vector<16xf32>
      %parallel_loop3A_399 = arith.addf %parallel_loop3A_397, %parallel_loop3A_398 : vector<16xf32>
      tpu.vector_store_idx %arg10[%parallel_loop3A_396], %parallel_loop3A_399 {add = true} : memref<8192xf32, #tpu.memory_space<vmem>>[vector<16xi32>], vector<16xf32>,
      %parallel_loop3A_400 = arith.constant 2048 : i32
      %parallel_loop3A_401 = vector.broadcast %parallel_loop3A_400 : i32 to vector<16xi32>
      %parallel_loop3A_402 = arith.addi %parallel_loop3A_333, %parallel_loop3A_401 : vector<16xi32>
      %parallel_loop3A_403 = arith.mulf %parallel_loop3A_320, %parallel_loop3A_389 : vector<16xf32>
      %parallel_loop3A_404 = arith.mulf %parallel_loop3A_321, %parallel_loop3A_393 : vector<16xf32>
      %parallel_loop3A_405 = arith.addf %parallel_loop3A_403, %parallel_loop3A_404 : vector<16xf32>
      tpu.vector_store_idx %arg10[%parallel_loop3A_402], %parallel_loop3A_405 {add = true} : memref<8192xf32, #tpu.memory_space<vmem>>[vector<16xi32>], vector<16xf32>,
      %parallel_loop3A_406 = arith.constant 12288 : i32
      %parallel_loop3A_407 = vector.broadcast %parallel_loop3A_406 : i32 to vector<16xi32>
      %parallel_loop3A_408 = arith.addi %parallel_loop3A_339, %parallel_loop3A_407 : vector<16xi32>
      %parallel_loop3A_409 = tpu.vector_load_idx %arg9[%parallel_loop3A_408] : memref<32768xf32, #tpu.memory_space<vmem>>[vector<16xi32>], vector<16xf32>,
      %parallel_loop3A_410 = arith.constant 12288 : i32
      %parallel_loop3A_411 = vector.broadcast %parallel_loop3A_410 : i32 to vector<16xi32>
      %parallel_loop3A_412 = arith.addi %parallel_loop3A_345, %parallel_loop3A_411 : vector<16xi32>
      %parallel_loop3A_413 = tpu.vector_load_idx %arg9[%parallel_loop3A_412] : memref<32768xf32, #tpu.memory_space<vmem>>[vector<16xi32>], vector<16xf32>,
      %parallel_loop3A_414 = arith.constant 3072 : i32
      %parallel_loop3A_415 = vector.broadcast %parallel_loop3A_414 : i32 to vector<16xi32>
      %parallel_loop3A_416 = arith.addi %parallel_loop3A_327, %parallel_loop3A_415 : vector<16xi32>
      %parallel_loop3A_417 = arith.mulf %parallel_loop3A_318, %parallel_loop3A_409 : vector<16xf32>
      %parallel_loop3A_418 = arith.mulf %parallel_loop3A_319, %parallel_loop3A_413 : vector<16xf32>
      %parallel_loop3A_419 = arith.addf %parallel_loop3A_417, %parallel_loop3A_418 : vector<16xf32>
      tpu.vector_store_idx %arg10[%parallel_loop3A_416], %parallel_loop3A_419 {add = true} : memref<8192xf32, #tpu.memory_space<vmem>>[vector<16xi32>], vector<16xf32>,
      %parallel_loop3A_420 = arith.constant 3072 : i32
      %parallel_loop3A_421 = vector.broadcast %parallel_loop3A_420 : i32 to vector<16xi32>
      %parallel_loop3A_422 = arith.addi %parallel_loop3A_333, %parallel_loop3A_421 : vector<16xi32>
      %parallel_loop3A_423 = arith.mulf %parallel_loop3A_320, %parallel_loop3A_409 : vector<16xf32>
      %parallel_loop3A_424 = arith.mulf %parallel_loop3A_321, %parallel_loop3A_413 : vector<16xf32>
      %parallel_loop3A_425 = arith.addf %parallel_loop3A_423, %parallel_loop3A_424 : vector<16xf32>
      tpu.vector_store_idx %arg10[%parallel_loop3A_422], %parallel_loop3A_425 {add = true} : memref<8192xf32, #tpu.memory_space<vmem>>[vector<16xi32>], vector<16xf32>,
      %parallel_loop3A_426 = arith.constant 16384 : i32
      %parallel_loop3A_427 = vector.broadcast %parallel_loop3A_426 : i32 to vector<16xi32>
      %parallel_loop3A_428 = arith.addi %parallel_loop3A_339, %parallel_loop3A_427 : vector<16xi32>
      %parallel_loop3A_429 = tpu.vector_load_idx %arg9[%parallel_loop3A_428] : memref<32768xf32, #tpu.memory_space<vmem>>[vector<16xi32>], vector<16xf32>,
      %parallel_loop3A_430 = arith.constant 16384 : i32
      %parallel_loop3A_431 = vector.broadcast %parallel_loop3A_430 : i32 to vector<16xi32>
      %parallel_loop3A_432 = arith.addi %parallel_loop3A_345, %parallel_loop3A_431 : vector<16xi32>
      %parallel_loop3A_433 = tpu.vector_load_idx %arg9[%parallel_loop3A_432] : memref<32768xf32, #tpu.memory_space<vmem>>[vector<16xi32>], vector<16xf32>,
      %parallel_loop3A_434 = arith.constant 4096 : i32
      %parallel_loop3A_435 = vector.broadcast %parallel_loop3A_434 : i32 to vector<16xi32>
      %parallel_loop3A_436 = arith.addi %parallel_loop3A_327, %parallel_loop3A_435 : vector<16xi32>
      %parallel_loop3A_437 = arith.mulf %parallel_loop3A_318, %parallel_loop3A_429 : vector<16xf32>
      %parallel_loop3A_438 = arith.mulf %parallel_loop3A_319, %parallel_loop3A_433 : vector<16xf32>
      %parallel_loop3A_439 = arith.addf %parallel_loop3A_437, %parallel_loop3A_438 : vector<16xf32>
      tpu.vector_store_idx %arg10[%parallel_loop3A_436], %parallel_loop3A_439 {add = true} : memref<8192xf32, #tpu.memory_space<vmem>>[vector<16xi32>], vector<16xf32>,
      %parallel_loop3A_440 = arith.constant 4096 : i32
      %parallel_loop3A_441 = vector.broadcast %parallel_loop3A_440 : i32 to vector<16xi32>
      %parallel_loop3A_442 = arith.addi %parallel_loop3A_333, %parallel_loop3A_441 : vector<16xi32>
      %parallel_loop3A_443 = arith.mulf %parallel_loop3A_320, %parallel_loop3A_429 : vector<16xf32>
      %parallel_loop3A_444 = arith.mulf %parallel_loop3A_321, %parallel_loop3A_433 : vector<16xf32>
      %parallel_loop3A_445 = arith.addf %parallel_loop3A_443, %parallel_loop3A_444 : vector<16xf32>
      tpu.vector_store_idx %arg10[%parallel_loop3A_442], %parallel_loop3A_445 {add = true} : memref<8192xf32, #tpu.memory_space<vmem>>[vector<16xi32>], vector<16xf32>,
      %parallel_loop3A_446 = arith.constant 20480 : i32
      %parallel_loop3A_447 = vector.broadcast %parallel_loop3A_446 : i32 to vector<16xi32>
      %parallel_loop3A_448 = arith.addi %parallel_loop3A_339, %parallel_loop3A_447 : vector<16xi32>
      %parallel_loop3A_449 = tpu.vector_load_idx %arg9[%parallel_loop3A_448] : memref<32768xf32, #tpu.memory_space<vmem>>[vector<16xi32>], vector<16xf32>,
      %parallel_loop3A_450 = arith.constant 20480 : i32
      %parallel_loop3A_451 = vector.broadcast %parallel_loop3A_450 : i32 to vector<16xi32>
      %parallel_loop3A_452 = arith.addi %parallel_loop3A_345, %parallel_loop3A_451 : vector<16xi32>
      %parallel_loop3A_453 = tpu.vector_load_idx %arg9[%parallel_loop3A_452] : memref<32768xf32, #tpu.memory_space<vmem>>[vector<16xi32>], vector<16xf32>,
      %parallel_loop3A_454 = arith.constant 5120 : i32
      %parallel_loop3A_455 = vector.broadcast %parallel_loop3A_454 : i32 to vector<16xi32>
      %parallel_loop3A_456 = arith.addi %parallel_loop3A_327, %parallel_loop3A_455 : vector<16xi32>
      %parallel_loop3A_457 = arith.mulf %parallel_loop3A_318, %parallel_loop3A_449 : vector<16xf32>
      %parallel_loop3A_458 = arith.mulf %parallel_loop3A_319, %parallel_loop3A_453 : vector<16xf32>
      %parallel_loop3A_459 = arith.addf %parallel_loop3A_457, %parallel_loop3A_458 : vector<16xf32>
      tpu.vector_store_idx %arg10[%parallel_loop3A_456], %parallel_loop3A_459 {add = true} : memref<8192xf32, #tpu.memory_space<vmem>>[vector<16xi32>], vector<16xf32>,
      %parallel_loop3A_460 = arith.constant 5120 : i32
      %parallel_loop3A_461 = vector.broadcast %parallel_loop3A_460 : i32 to vector<16xi32>
      %parallel_loop3A_462 = arith.addi %parallel_loop3A_333, %parallel_loop3A_461 : vector<16xi32>
      %parallel_loop3A_463 = arith.mulf %parallel_loop3A_320, %parallel_loop3A_449 : vector<16xf32>
      %parallel_loop3A_464 = arith.mulf %parallel_loop3A_321, %parallel_loop3A_453 : vector<16xf32>
      %parallel_loop3A_465 = arith.addf %parallel_loop3A_463, %parallel_loop3A_464 : vector<16xf32>
      tpu.vector_store_idx %arg10[%parallel_loop3A_462], %parallel_loop3A_465 {add = true} : memref<8192xf32, #tpu.memory_space<vmem>>[vector<16xi32>], vector<16xf32>,
      %parallel_loop3A_466 = arith.constant 24576 : i32
      %parallel_loop3A_467 = vector.broadcast %parallel_loop3A_466 : i32 to vector<16xi32>
      %parallel_loop3A_468 = arith.addi %parallel_loop3A_339, %parallel_loop3A_467 : vector<16xi32>
      %parallel_loop3A_469 = tpu.vector_load_idx %arg9[%parallel_loop3A_468] : memref<32768xf32, #tpu.memory_space<vmem>>[vector<16xi32>], vector<16xf32>,
      %parallel_loop3A_470 = arith.constant 24576 : i32
      %parallel_loop3A_471 = vector.broadcast %parallel_loop3A_470 : i32 to vector<16xi32>
      %parallel_loop3A_472 = arith.addi %parallel_loop3A_345, %parallel_loop3A_471 : vector<16xi32>
      %parallel_loop3A_473 = tpu.vector_load_idx %arg9[%parallel_loop3A_472] : memref<32768xf32, #tpu.memory_space<vmem>>[vector<16xi32>], vector<16xf32>,
      %parallel_loop3A_474 = arith.constant 6144 : i32
      %parallel_loop3A_475 = vector.broadcast %parallel_loop3A_474 : i32 to vector<16xi32>
      %parallel_loop3A_476 = arith.addi %parallel_loop3A_327, %parallel_loop3A_475 : vector<16xi32>
      %parallel_loop3A_477 = arith.mulf %parallel_loop3A_318, %parallel_loop3A_469 : vector<16xf32>
      %parallel_loop3A_478 = arith.mulf %parallel_loop3A_319, %parallel_loop3A_473 : vector<16xf32>
      %parallel_loop3A_479 = arith.addf %parallel_loop3A_477, %parallel_loop3A_478 : vector<16xf32>
      tpu.vector_store_idx %arg10[%parallel_loop3A_476], %parallel_loop3A_479 {add = true} : memref<8192xf32, #tpu.memory_space<vmem>>[vector<16xi32>], vector<16xf32>,
      %parallel_loop3A_480 = arith.constant 6144 : i32
      %parallel_loop3A_481 = vector.broadcast %parallel_loop3A_480 : i32 to vector<16xi32>
      %parallel_loop3A_482 = arith.addi %parallel_loop3A_333, %parallel_loop3A_481 : vector<16xi32>
      %parallel_loop3A_483 = arith.mulf %parallel_loop3A_320, %parallel_loop3A_469 : vector<16xf32>
      %parallel_loop3A_484 = arith.mulf %parallel_loop3A_321, %parallel_loop3A_473 : vector<16xf32>
      %parallel_loop3A_485 = arith.addf %parallel_loop3A_483, %parallel_loop3A_484 : vector<16xf32>
      tpu.vector_store_idx %arg10[%parallel_loop3A_482], %parallel_loop3A_485 {add = true} : memref<8192xf32, #tpu.memory_space<vmem>>[vector<16xi32>], vector<16xf32>,
      %parallel_loop3A_486 = arith.constant 28672 : i32
      %parallel_loop3A_487 = vector.broadcast %parallel_loop3A_486 : i32 to vector<16xi32>
      %parallel_loop3A_488 = arith.addi %parallel_loop3A_339, %parallel_loop3A_487 : vector<16xi32>
      %parallel_loop3A_489 = tpu.vector_load_idx %arg9[%parallel_loop3A_488] : memref<32768xf32, #tpu.memory_space<vmem>>[vector<16xi32>], vector<16xf32>,
      %parallel_loop3A_490 = arith.constant 28672 : i32
      %parallel_loop3A_491 = vector.broadcast %parallel_loop3A_490 : i32 to vector<16xi32>
      %parallel_loop3A_492 = arith.addi %parallel_loop3A_345, %parallel_loop3A_491 : vector<16xi32>
      %parallel_loop3A_493 = tpu.vector_load_idx %arg9[%parallel_loop3A_492] : memref<32768xf32, #tpu.memory_space<vmem>>[vector<16xi32>], vector<16xf32>,
      %parallel_loop3A_494 = arith.constant 7168 : i32
      %parallel_loop3A_495 = vector.broadcast %parallel_loop3A_494 : i32 to vector<16xi32>
      %parallel_loop3A_496 = arith.addi %parallel_loop3A_327, %parallel_loop3A_495 : vector<16xi32>
      %parallel_loop3A_497 = arith.mulf %parallel_loop3A_318, %parallel_loop3A_489 : vector<16xf32>
      %parallel_loop3A_498 = arith.mulf %parallel_loop3A_319, %parallel_loop3A_493 : vector<16xf32>
      %parallel_loop3A_499 = arith.addf %parallel_loop3A_497, %parallel_loop3A_498 : vector<16xf32>
      tpu.vector_store_idx %arg10[%parallel_loop3A_496], %parallel_loop3A_499 {add = true} : memref<8192xf32, #tpu.memory_space<vmem>>[vector<16xi32>], vector<16xf32>,
      %parallel_loop3A_500 = arith.constant 7168 : i32
      %parallel_loop3A_501 = vector.broadcast %parallel_loop3A_500 : i32 to vector<16xi32>
      %parallel_loop3A_502 = arith.addi %parallel_loop3A_333, %parallel_loop3A_501 : vector<16xi32>
      %parallel_loop3A_503 = arith.mulf %parallel_loop3A_320, %parallel_loop3A_489 : vector<16xf32>
      %parallel_loop3A_504 = arith.mulf %parallel_loop3A_321, %parallel_loop3A_493 : vector<16xf32>
      %parallel_loop3A_505 = arith.addf %parallel_loop3A_503, %parallel_loop3A_504 : vector<16xf32>
      tpu.vector_store_idx %arg10[%parallel_loop3A_502], %parallel_loop3A_505 {add = true} : memref<8192xf32, #tpu.memory_space<vmem>>[vector<16xi32>], vector<16xf32>,
    } {sc.loop_unroll_factor = 1 : i64, sc.parallel_access}
    "tpu.region"() ({
      %run_scoped3A = tpu.sem_alloc : memref<!tpu.dma_semaphore, #tpu.memory_space<semaphore_mem>>
      %dma_start3A_240 = arith.constant 0 : i32
      %dma_start3A_241 = tpu.memref_slice %arg18[%arg1, %dma_start3A_240] : memref<16x8192xf32, #tpu.memory_space<vmem_shared>> -> memref<1x8192xf32, #tpu.memory_space<vmem_shared>>
      %dma_start3A_242 = tpu.memref_squeeze %dma_start3A_241 : memref<1x8192xf32, #tpu.memory_space<vmem_shared>> -> memref<8192xf32, #tpu.memory_space<vmem_shared>>
      %dma_start3A_243 = arith.constant 0 : i32
      %dma_start3A_244 = tpu.memref_slice %arg18[%arg1, %dma_start3A_243] : memref<16x8192xf32, #tpu.memory_space<vmem_shared>> -> memref<1x8192xf32, #tpu.memory_space<vmem_shared>>
      %dma_start3A_245 = tpu.memref_squeeze %dma_start3A_244 : memref<1x8192xf32, #tpu.memory_space<vmem_shared>> -> memref<8192xf32, #tpu.memory_space<vmem_shared>>
      tpu.enqueue_dma source(%arg10 : memref<8192xf32, #tpu.memory_space<vmem>>) target(%dma_start3A_245 : memref<8192xf32, #tpu.memory_space<vmem_shared>>) target_semaphore(%run_scoped3A : memref<!tpu.dma_semaphore, #tpu.memory_space<semaphore_mem>>)
      %dma_wait3A_246 = arith.constant 0 : i32
      %dma_wait3A_247 = tpu.memref_slice %arg18[%arg1, %dma_wait3A_246] : memref<16x8192xf32, #tpu.memory_space<vmem_shared>> -> memref<1x8192xf32, #tpu.memory_space<vmem_shared>>
      %dma_wait3A_248 = tpu.memref_squeeze %dma_wait3A_247 : memref<1x8192xf32, #tpu.memory_space<vmem_shared>> -> memref<8192xf32, #tpu.memory_space<vmem_shared>>
      %dma_wait3A_249 = arith.constant 0 : i32
      %dma_wait3A_250 = tpu.memref_slice %arg18[%arg1, %dma_wait3A_249] : memref<16x8192xf32, #tpu.memory_space<vmem_shared>> -> memref<1x8192xf32, #tpu.memory_space<vmem_shared>>
      %dma_wait3A_251 = tpu.memref_squeeze %dma_wait3A_250 : memref<1x8192xf32, #tpu.memory_space<vmem_shared>> -> memref<8192xf32, #tpu.memory_space<vmem_shared>>
      tpu.wait_dma2 semaphore(%run_scoped3A : memref<!tpu.dma_semaphore, #tpu.memory_space<semaphore_mem>>) src(%arg10 : memref<8192xf32, #tpu.memory_space<vmem>>) dst(%dma_wait3A_251 : memref<8192xf32, #tpu.memory_space<vmem_shared>>)
      tpu.yield
    }) : () -> ()
    %barrier3A = arith.constant 0 : index
    tpu.barrier barrier_id(%barrier3A)
    %mul3A_203 = arith.constant 512 : i32
    %mul3A_204 = arith.muli %arg1, %mul3A_203 : i32
    "tpu.region"() ({
      %run_scoped3A = tpu.sem_alloc : memref<!tpu.dma_semaphore, #tpu.memory_space<semaphore_mem>>
      %dma_start3A_240 = arith.constant 0 : i32
      %dma_start3A_241 = tpu.memref_slice %arg18[%dma_start3A_240, %mul3A_204] : memref<16x8192xf32, #tpu.memory_space<vmem_shared>> -> memref<16x512xf32, #tpu.memory_space<vmem_shared>>
      %dma_start3A_242 = arith.constant 0 : i32
      %dma_start3A_243 = tpu.memref_slice %arg18[%dma_start3A_242, %mul3A_204] : memref<16x8192xf32, #tpu.memory_space<vmem_shared>> -> memref<16x512xf32, #tpu.memory_space<vmem_shared>>
      tpu.enqueue_dma source(%dma_start3A_243 : memref<16x512xf32, #tpu.memory_space<vmem_shared>>) target(%arg16 : memref<16x512xf32, #tpu.memory_space<vmem>>) target_semaphore(%run_scoped3A : memref<!tpu.dma_semaphore, #tpu.memory_space<semaphore_mem>>)
      %dma_wait3A_244 = arith.constant 0 : i32
      %dma_wait3A_245 = tpu.memref_slice %arg18[%dma_wait3A_244, %mul3A_204] : memref<16x8192xf32, #tpu.memory_space<vmem_shared>> -> memref<16x512xf32, #tpu.memory_space<vmem_shared>>
      %dma_wait3A_246 = arith.constant 0 : i32
      %dma_wait3A_247 = tpu.memref_slice %arg18[%dma_wait3A_246, %mul3A_204] : memref<16x8192xf32, #tpu.memory_space<vmem_shared>> -> memref<16x512xf32, #tpu.memory_space<vmem_shared>>
      tpu.wait_dma2 semaphore(%run_scoped3A : memref<!tpu.dma_semaphore, #tpu.memory_space<semaphore_mem>>) src(%dma_wait3A_247 : memref<16x512xf32, #tpu.memory_space<vmem_shared>>) dst(%arg16 : memref<16x512xf32, #tpu.memory_space<vmem>>)
      tpu.yield
    }) : () -> ()
    %parallel_loop3A_205 = arith.constant 0 : i32
    %parallel_loop3A_206 = arith.constant 512 : i32
    %parallel_loop3A_207 = arith.constant 16 : i32
    scf.for %parallel_loop3A_240 = %parallel_loop3A_205 to %parallel_loop3A_206 step %parallel_loop3A_207  : i32 {
      %parallel_loop3A_241 = arith.constant 0 : i32
      %parallel_loop3A_242 = arith.index_cast %parallel_loop3A_241 : i32 to index
      %parallel_loop3A_243 = arith.index_cast %parallel_loop3A_240 : i32 to index
      %parallel_loop3A_244 = tpu.vector_load %arg16[%parallel_loop3A_242, %parallel_loop3A_243] {strides = array<i32>} : memref<16x512xf32, #tpu.memory_space<vmem>>, vector<16xf32>,
      %parallel_loop3A_245 = arith.constant 1 : i32
      %parallel_loop3A_246 = arith.index_cast %parallel_loop3A_245 : i32 to index
      %parallel_loop3A_247 = arith.index_cast %parallel_loop3A_240 : i32 to index
      %parallel_loop3A_248 = tpu.vector_load %arg16[%parallel_loop3A_246, %parallel_loop3A_247] {strides = array<i32>} : memref<16x512xf32, #tpu.memory_space<vmem>>, vector<16xf32>,
      %parallel_loop3A_249 = arith.addf %parallel_loop3A_244, %parallel_loop3A_248 : vector<16xf32>
      %parallel_loop3A_250 = arith.constant 2 : i32
      %parallel_loop3A_251 = arith.index_cast %parallel_loop3A_250 : i32 to index
      %parallel_loop3A_252 = arith.index_cast %parallel_loop3A_240 : i32 to index
      %parallel_loop3A_253 = tpu.vector_load %arg16[%parallel_loop3A_251, %parallel_loop3A_252] {strides = array<i32>} : memref<16x512xf32, #tpu.memory_space<vmem>>, vector<16xf32>,
      %parallel_loop3A_254 = arith.addf %parallel_loop3A_249, %parallel_loop3A_253 : vector<16xf32>
      %parallel_loop3A_255 = arith.constant 3 : i32
      %parallel_loop3A_256 = arith.index_cast %parallel_loop3A_255 : i32 to index
      %parallel_loop3A_257 = arith.index_cast %parallel_loop3A_240 : i32 to index
      %parallel_loop3A_258 = tpu.vector_load %arg16[%parallel_loop3A_256, %parallel_loop3A_257] {strides = array<i32>} : memref<16x512xf32, #tpu.memory_space<vmem>>, vector<16xf32>,
      %parallel_loop3A_259 = arith.addf %parallel_loop3A_254, %parallel_loop3A_258 : vector<16xf32>
      %parallel_loop3A_260 = arith.constant 4 : i32
      %parallel_loop3A_261 = arith.index_cast %parallel_loop3A_260 : i32 to index
      %parallel_loop3A_262 = arith.index_cast %parallel_loop3A_240 : i32 to index
      %parallel_loop3A_263 = tpu.vector_load %arg16[%parallel_loop3A_261, %parallel_loop3A_262] {strides = array<i32>} : memref<16x512xf32, #tpu.memory_space<vmem>>, vector<16xf32>,
      %parallel_loop3A_264 = arith.addf %parallel_loop3A_259, %parallel_loop3A_263 : vector<16xf32>
      %parallel_loop3A_265 = arith.constant 5 : i32
      %parallel_loop3A_266 = arith.index_cast %parallel_loop3A_265 : i32 to index
      %parallel_loop3A_267 = arith.index_cast %parallel_loop3A_240 : i32 to index
      %parallel_loop3A_268 = tpu.vector_load %arg16[%parallel_loop3A_266, %parallel_loop3A_267] {strides = array<i32>} : memref<16x512xf32, #tpu.memory_space<vmem>>, vector<16xf32>,
      %parallel_loop3A_269 = arith.addf %parallel_loop3A_264, %parallel_loop3A_268 : vector<16xf32>
      %parallel_loop3A_270 = arith.constant 6 : i32
      %parallel_loop3A_271 = arith.index_cast %parallel_loop3A_270 : i32 to index
      %parallel_loop3A_272 = arith.index_cast %parallel_loop3A_240 : i32 to index
      %parallel_loop3A_273 = tpu.vector_load %arg16[%parallel_loop3A_271, %parallel_loop3A_272] {strides = array<i32>} : memref<16x512xf32, #tpu.memory_space<vmem>>, vector<16xf32>,
      %parallel_loop3A_274 = arith.addf %parallel_loop3A_269, %parallel_loop3A_273 : vector<16xf32>
      %parallel_loop3A_275 = arith.constant 7 : i32
      %parallel_loop3A_276 = arith.index_cast %parallel_loop3A_275 : i32 to index
      %parallel_loop3A_277 = arith.index_cast %parallel_loop3A_240 : i32 to index
      %parallel_loop3A_278 = tpu.vector_load %arg16[%parallel_loop3A_276, %parallel_loop3A_277] {strides = array<i32>} : memref<16x512xf32, #tpu.memory_space<vmem>>, vector<16xf32>,
      %parallel_loop3A_279 = arith.addf %parallel_loop3A_274, %parallel_loop3A_278 : vector<16xf32>
      %parallel_loop3A_280 = arith.constant 8 : i32
      %parallel_loop3A_281 = arith.index_cast %parallel_loop3A_280 : i32 to index
      %parallel_loop3A_282 = arith.index_cast %parallel_loop3A_240 : i32 to index
      %parallel_loop3A_283 = tpu.vector_load %arg16[%parallel_loop3A_281, %parallel_loop3A_282] {strides = array<i32>} : memref<16x512xf32, #tpu.memory_space<vmem>>, vector<16xf32>,
      %parallel_loop3A_284 = arith.addf %parallel_loop3A_279, %parallel_loop3A_283 : vector<16xf32>
      %parallel_loop3A_285 = arith.constant 9 : i32
      %parallel_loop3A_286 = arith.index_cast %parallel_loop3A_285 : i32 to index
      %parallel_loop3A_287 = arith.index_cast %parallel_loop3A_240 : i32 to index
      %parallel_loop3A_288 = tpu.vector_load %arg16[%parallel_loop3A_286, %parallel_loop3A_287] {strides = array<i32>} : memref<16x512xf32, #tpu.memory_space<vmem>>, vector<16xf32>,
      %parallel_loop3A_289 = arith.addf %parallel_loop3A_284, %parallel_loop3A_288 : vector<16xf32>
      %parallel_loop3A_290 = arith.constant 10 : i32
      %parallel_loop3A_291 = arith.index_cast %parallel_loop3A_290 : i32 to index
      %parallel_loop3A_292 = arith.index_cast %parallel_loop3A_240 : i32 to index
      %parallel_loop3A_293 = tpu.vector_load %arg16[%parallel_loop3A_291, %parallel_loop3A_292] {strides = array<i32>} : memref<16x512xf32, #tpu.memory_space<vmem>>, vector<16xf32>,
      %parallel_loop3A_294 = arith.addf %parallel_loop3A_289, %parallel_loop3A_293 : vector<16xf32>
      %parallel_loop3A_295 = arith.constant 11 : i32
      %parallel_loop3A_296 = arith.index_cast %parallel_loop3A_295 : i32 to index
      %parallel_loop3A_297 = arith.index_cast %parallel_loop3A_240 : i32 to index
      %parallel_loop3A_298 = tpu.vector_load %arg16[%parallel_loop3A_296, %parallel_loop3A_297] {strides = array<i32>} : memref<16x512xf32, #tpu.memory_space<vmem>>, vector<16xf32>,
      %parallel_loop3A_299 = arith.addf %parallel_loop3A_294, %parallel_loop3A_298 : vector<16xf32>
      %parallel_loop3A_300 = arith.constant 12 : i32
      %parallel_loop3A_301 = arith.index_cast %parallel_loop3A_300 : i32 to index
      %parallel_loop3A_302 = arith.index_cast %parallel_loop3A_240 : i32 to index
      %parallel_loop3A_303 = tpu.vector_load %arg16[%parallel_loop3A_301, %parallel_loop3A_302] {strides = array<i32>} : memref<16x512xf32, #tpu.memory_space<vmem>>, vector<16xf32>,
      %parallel_loop3A_304 = arith.addf %parallel_loop3A_299, %parallel_loop3A_303 : vector<16xf32>
      %parallel_loop3A_305 = arith.constant 13 : i32
      %parallel_loop3A_306 = arith.index_cast %parallel_loop3A_305 : i32 to index
      %parallel_loop3A_307 = arith.index_cast %parallel_loop3A_240 : i32 to index
      %parallel_loop3A_308 = tpu.vector_load %arg16[%parallel_loop3A_306, %parallel_loop3A_307] {strides = array<i32>} : memref<16x512xf32, #tpu.memory_space<vmem>>, vector<16xf32>,
      %parallel_loop3A_309 = arith.addf %parallel_loop3A_304, %parallel_loop3A_308 : vector<16xf32>
      %parallel_loop3A_310 = arith.constant 14 : i32
      %parallel_loop3A_311 = arith.index_cast %parallel_loop3A_310 : i32 to index
      %parallel_loop3A_312 = arith.index_cast %parallel_loop3A_240 : i32 to index
      %parallel_loop3A_313 = tpu.vector_load %arg16[%parallel_loop3A_311, %parallel_loop3A_312] {strides = array<i32>} : memref<16x512xf32, #tpu.memory_space<vmem>>, vector<16xf32>,
      %parallel_loop3A_314 = arith.addf %parallel_loop3A_309, %parallel_loop3A_313 : vector<16xf32>
      %parallel_loop3A_315 = arith.constant 15 : i32
      %parallel_loop3A_316 = arith.index_cast %parallel_loop3A_315 : i32 to index
      %parallel_loop3A_317 = arith.index_cast %parallel_loop3A_240 : i32 to index
      %parallel_loop3A_318 = tpu.vector_load %arg16[%parallel_loop3A_316, %parallel_loop3A_317] {strides = array<i32>} : memref<16x512xf32, #tpu.memory_space<vmem>>, vector<16xf32>,
      %parallel_loop3A_319 = arith.addf %parallel_loop3A_314, %parallel_loop3A_318 : vector<16xf32>
      %parallel_loop3A_320 = arith.index_cast %parallel_loop3A_240 : i32 to index
      %parallel_loop3A_321 = tpu.vector_load %arg17[%parallel_loop3A_320] {strides = array<i32>} : memref<512xf32, #tpu.memory_space<vmem>>, vector<16xf32>,
      tpu.vector_store %arg17[%parallel_loop3A_320], %parallel_loop3A_319 {strides = array<i32>} : memref<512xf32, #tpu.memory_space<vmem>>, vector<16xf32>,
    } {sc.loop_unroll_factor = 2 : i64, sc.parallel_access}
    %jit3A = arith.constant 2 : i32
    %div3A = arith.divsi %arg1, %jit3A : i32
    %sign3A = arith.constant 0 : i32
    %sign3A_208 = arith.cmpi sgt, %arg1, %sign3A : i32
    %sign3A_209 = arith.extui %sign3A_208 : i1 to i32
    %sign3A_210 = arith.constant 0 : i32
    %sign3A_211 = arith.cmpi slt, %arg1, %sign3A_210 : i32
    %sign3A_212 = arith.extui %sign3A_211 : i1 to i32
    %sign3A_213 = arith.subi %sign3A_209, %sign3A_212 : i32
    %sign3A_214 = arith.constant 0 : i32
    %sign3A_215 = arith.cmpi sgt, %jit3A, %sign3A_214 : i32
    %sign3A_216 = arith.extui %sign3A_215 : i1 to i32
    %sign3A_217 = arith.constant 0 : i32
    %sign3A_218 = arith.cmpi slt, %jit3A, %sign3A_217 : i32
    %sign3A_219 = arith.extui %sign3A_218 : i1 to i32
    %sign3A_220 = arith.subi %sign3A_216, %sign3A_219 : i32
    %ne3A = arith.cmpi ne, %sign3A_213, %sign3A_220 : i32
    %rem3A = arith.remsi %arg1, %jit3A : i32
    %ne3A_221 = arith.constant 0 : i32
    %ne3A_222 = arith.cmpi ne, %rem3A, %ne3A_221 : i32
    %and3A = arith.andi %ne3A, %ne3A_222 : i1
    %sub3A = arith.constant 1 : i32
    %sub3A_223 = arith.subi %div3A, %sub3A : i32
    %select_n3A = arith.select %and3A, %sub3A_223, %div3A : i32
    %jit3A_224 = arith.constant 2 : i32
    %eq3A = arith.constant 0 : i32
    %eq3A_225 = arith.cmpi eq, %jit3A_224, %eq3A : i32
    %jit3A_226 = arith.constant 1 : i32
    %select_n3A_227 = arith.select %eq3A_225, %jit3A_226, %jit3A_224 : i32
    %rem3A_228 = arith.remsi %arg1, %select_n3A_227 : i32
    %ne3A_229 = arith.constant 0 : i32
    %ne3A_230 = arith.cmpi ne, %rem3A_228, %ne3A_229 : i32
    %lt3A = arith.constant 0 : i32
    %lt3A_231 = arith.cmpi slt, %rem3A_228, %lt3A : i32
    %lt3A_232 = arith.constant 0 : i32
    %lt3A_233 = arith.cmpi slt, %select_n3A_227, %lt3A_232 : i32
    %ne3A_234 = arith.xori %lt3A_231, %lt3A_233 : i1
    %and3A_235 = arith.andi %ne3A_234, %ne3A_230 : i1
    %add3A_236 = arith.addi %rem3A_228, %select_n3A_227 : i32
    %select_n3A_237 = arith.select %and3A_235, %add3A_236, %rem3A_228 : i32
    %mul3A_238 = arith.constant 512 : i32
    %mul3A_239 = arith.muli %select_n3A_237, %mul3A_238 : i32
    "tpu.region"() ({
      %run_scoped3A = tpu.sem_alloc : memref<!tpu.dma_semaphore, #tpu.memory_space<semaphore_mem>>
      %dma_start3A_240 = tpu.memref_slice %arg8[%arg0, %select_n3A, %mul3A_239] : memref<2x8x1024xf32, #tpu.memory_space<hbm>> -> memref<1x1x512xf32, #tpu.memory_space<hbm>>
      %dma_start3A_241 = tpu.memref_squeeze %dma_start3A_240 : memref<1x1x512xf32, #tpu.memory_space<hbm>> -> memref<512xf32, #tpu.memory_space<hbm>>
      %dma_start3A_242 = tpu.memref_slice %arg8[%arg0, %select_n3A, %mul3A_239] : memref<2x8x1024xf32, #tpu.memory_space<hbm>> -> memref<1x1x512xf32, #tpu.memory_space<hbm>>
      %dma_start3A_243 = tpu.memref_squeeze %dma_start3A_242 : memref<1x1x512xf32, #tpu.memory_space<hbm>> -> memref<512xf32, #tpu.memory_space<hbm>>
      tpu.enqueue_dma source(%arg17 : memref<512xf32, #tpu.memory_space<vmem>>) target(%dma_start3A_243 : memref<512xf32, #tpu.memory_space<hbm>>) target_semaphore(%run_scoped3A : memref<!tpu.dma_semaphore, #tpu.memory_space<semaphore_mem>>)
      %dma_wait3A_244 = tpu.memref_slice %arg8[%arg0, %select_n3A, %mul3A_239] : memref<2x8x1024xf32, #tpu.memory_space<hbm>> -> memref<1x1x512xf32, #tpu.memory_space<hbm>>
      %dma_wait3A_245 = tpu.memref_squeeze %dma_wait3A_244 : memref<1x1x512xf32, #tpu.memory_space<hbm>> -> memref<512xf32, #tpu.memory_space<hbm>>
      %dma_wait3A_246 = tpu.memref_slice %arg8[%arg0, %select_n3A, %mul3A_239] : memref<2x8x1024xf32, #tpu.memory_space<hbm>> -> memref<1x1x512xf32, #tpu.memory_space<hbm>>
      %dma_wait3A_247 = tpu.memref_squeeze %dma_wait3A_246 : memref<1x1x512xf32, #tpu.memory_space<hbm>> -> memref<512xf32, #tpu.memory_space<hbm>>
      tpu.wait_dma2 semaphore(%run_scoped3A : memref<!tpu.dma_semaphore, #tpu.memory_space<semaphore_mem>>) src(%arg17 : memref<512xf32, #tpu.memory_space<vmem>>) dst(%dma_wait3A_247 : memref<512xf32, #tpu.memory_space<hbm>>)
      tpu.yield
    }) : () -> ()
    return
  }
}

module attributes {stable_mosaic.version = 14 : i64} {
  func.func @_combine_body(%arg0: memref<2x8x1024xf32, #tpu.memory_space<vmem>>, %arg1: memref<1x1024xf32, #tpu.memory_space<vmem>>, %arg2: memref<8x1024xf32, #tpu.memory_space<vmem>>) attributes {dimension_semantics = [], scalar_prefetch = 0 : i64, scratch_operands = 0 : i64, tpu.core_type = #tpu.core_type<tc>} {
    %get3A = arith.constant 0 : index
    %get3A_0 = arith.constant 0 : index
    %get3A_1 = arith.constant 0 : index
    %get3A_2 = vector.load %arg0[%get3A, %get3A_0, %get3A_1] : memref<2x8x1024xf32, #tpu.memory_space<vmem>>, vector<1x8x1024xf32>
    %get3A_3 = vector.shape_cast %get3A_2 : vector<1x8x1024xf32> to vector<8x1024xf32>
    %get3A_4 = arith.constant 1 : index
    %get3A_5 = arith.constant 0 : index
    %get3A_6 = arith.constant 0 : index
    %get3A_7 = vector.load %arg0[%get3A_4, %get3A_5, %get3A_6] : memref<2x8x1024xf32, #tpu.memory_space<vmem>>, vector<1x8x1024xf32>
    %get3A_8 = vector.shape_cast %get3A_7 : vector<1x8x1024xf32> to vector<8x1024xf32>
    %add3A = arith.addf %get3A_3, %get3A_8 : vector<8x1024xf32>
    %get3A_9 = arith.constant 0 : index
    %get3A_10 = arith.constant 0 : index
    %get3A_11 = vector.load %arg1[%get3A_9, %get3A_10] : memref<1x1024xf32, #tpu.memory_space<vmem>>, vector<1x1024xf32>
    %add3A_12 = vector.broadcast %get3A_11 : vector<1x1024xf32> to vector<8x1024xf32>
    %add3A_13 = arith.addf %add3A, %add3A_12 : vector<8x1024xf32>
    %swap3A = arith.constant 0 : index
    %swap3A_14 = arith.constant 0 : index
    %swap3A_15 = vector.load %arg2[%swap3A, %swap3A_14] : memref<8x1024xf32, #tpu.memory_space<vmem>>, vector<8x1024xf32>
    tpu.vector_store %arg2[%swap3A, %swap3A_14], %add3A_13 {strides = array<i32>} : memref<8x1024xf32, #tpu.memory_space<vmem>>, vector<8x1024xf32>,
    return
  }
}

</mosaic_0001>

<sc_bundles>
// kernel: _run.4.cloned.1.call-start
scs
__scs_entry_jumppad:
0x0: {  	(pc) =	sbr.rel $0x88, $3  }
0x1: {  	(tag) =	ssettag $0x0;
	lr =	simm.s32 $0x1  }
0x2: {  	[smem:$0x3F9C] =	sst lr;
	_ =	strace $0xD0000000  }
0x3: {  	_ = 	snop  }
0x4: {  	_ = 	snop  }
0x5: {  	_ = 	snop  }
0x6: {  	_ = 	snop  }
0x7: {  	_ = 	snop  }
__scs_overlays_trampoline_lowered:
0x8: {  	[smem:$0x3FAB] =	sst s0  }
0x9: {  	[smem:$0x3FAC] =	sst s1  }
0xa: {  	[smem:$0x3FAD] =	sst s2  }
0xb: {  	[smem:$0x3FAE] =	sst s3  }
0xc: {  	[smem:$0x3FAF] =	sst s4  }
0xd: {  	[smem:$0x3FB0] =	sst s5  }
0xe: {  	[smem:$0x3FB1] =	sst s6  }
0xf: {  	[smem:$0x3FB2] =	sst s7  }
0x10: {  	[smem:$0x3FB3] =	sst s8  }
0x11: {  	[smem:$0x3FB4] =	sst s9;
	s0 =	simm.s32 @!p0 $0x0  }
0x12: {  	s1 =	sld [smem:$0x3F9A];
	s0 =	simm.s32 @p0 $0x1  }
0x13: {  	[smem:$0x3FB5] =	sst s0;
	s0 =	simm.s32 @!p1 $0x0  }
0x14: {  	s2 =	sld [smem:$0x3F99];
	s0 =	simm.s32 @p1 $0x1  }
0x15: {  	[smem:$0x3FB6] =	sst s0;
	s0 =	simm.s32 @!p2 $0x0  }
0x16: {  	s3 =	sld [smem:$0x3FDB];
	s0 =	simm.s32 @p2 $0x1  }
0x17: {  	s4 =	simm.s32 $0x1BF5;
	[smem:$0x3FB8] =	sst s0  }
0x18: {  	s0 =	sld [smem:$0x3F9B];
	_ =	swait.ge [sflag:s4], $0x0  }
0x19: {  	s7 =	sld [smem:$0x3F9C]  }
0x1a: {  	s8 =	sadd.s32 $0xFFFFE003, lr  }
0x1b: {  	s9 =	sadd.s32 $0xFFFFFEF7, lr;
	s5 =	simm.s32 $0xFFFFFFFF;
	p2 =	slt.u32 s8, $0xFFFFF086  }
0x1c: {  	p1 =	slt.u32 s9, $0xF7A;
	s5 =	simm.s32 @!p2 $0x0  }
0x1d: {  	s5 =	simm.s32 @p1 $0x1;
	p0 =	seq.s32 s7, s2  }
0x1e: {  	s7 =	smul.u32 @!p0 $0xF7A, s2;
	p2 =	seq.s32 @!p0 s5, $0x0  }
0x1f: {  	s9 =	smul.u32 $0xF7A, s1;
	s8 =	simm.s32 @!p0 $0x1BF5;
	p2 =	por !p2, p0  }
0x20: {  	[sflag:s8] =	ssyncset.s32 @!p0 $0xFFFFF086;
	s6 =	sadd.s32 @!p0 s3, s7;
	s7 =	simm.s32 @!p0 $0x108  }
0x21: {  	s3 =	sadd.s32 s3, s9;
	s6 =	sadd.s32 @!p0 $0x88, s6;
	s7 =	simm.s32 @p2 $0x1082  }
0x22: {  	[simem:s7], [sflag:s8] =	dma.local @!p0 [hbm:s6], $0xF7A  }
0x23: {  	s9 =	sor.u32 $0xD0000000, s2;
	s6 =	simm.s32 $0x108;
	_ =	swait.ge @!p0 [sflag:s8], $0x0  }
0x24: {  	s3 =	sadd.s32 $0x88, s3;
	s6 =	simm.s32 @!p1 $0x1082;
	[sflag:s4] =	ssyncset.s32 $0xFFFFF086  }
0x25: {  	[simem:s6], [sflag:s4] =	dma.local [hbm:s3], $0xF7A  }
0x26: {  	[smem:$0x3F9C] =	sst s1;
	(tag) =	ssettag s2;
	_ =	strace s9  }
0x27: {  	s1 =	sld [smem:$0x3FAC]  }
0x28: {  	s2 =	sld [smem:$0x3FAD]  }
0x29: {  	s4 =	sld [smem:$0x3FAF]  }
0x2a: {  	p0 =	seq.s32 s5, $0x0;
	s5 =	sld [smem:$0x3FB0]  }
0x2b: {  	s6 =	sld [smem:$0x3FB1]  }
0x2c: {  	s7 =	sld [smem:$0x3FB2]  }
0x2d: {  	s3 =	simm.s32 $0x108;
	s8 =	sld [smem:$0x3FB3]  }
0x2e: {  	s3 =	simm.s32 @!p0 $0x1082;
	s9 =	sld [smem:$0x3FB4]  }
0x2f: {  	lr =	sadd.s32 s0, s3;
	s0 =	sld [smem:$0x3FAB]  }
0x30: {  	s3 =	sld [smem:$0x3FAE]  }
0x31: {  	[smem:$0x3FB7] =	sst s10  }
0x32: {  	s10 =	sld [smem:$0x3FB5];
	_ =	sdelay $0x3  }
0x33: {  	p0 =	seq.s32 s10, $0x1;
	s10 =	sld [smem:$0x3FB7];
	_ =	sdelay $0x3  }
0x34: {  	[smem:$0x3FB7] =	sst s10  }
0x35: {  	s10 =	sld [smem:$0x3FB6];
	_ =	sdelay $0x3  }
0x36: {  	p1 =	seq.s32 s10, $0x1;
	s10 =	sld [smem:$0x3FB7];
	_ =	sdelay $0x3  }
0x37: {  	[smem:$0x3FB7] =	sst s10  }
0x38: {  	s10 =	sld [smem:$0x3FB8]  }
0x39: {  	_ = 	snop;
	(pc) =	sbr.ind lr, $3  }
0x3a: {  	_ = 	snop  }
0x3b: {  	_ = 	snop  }
0x3c: {  	p2 =	seq.s32 s10, $0x1;
	s10 =	sld [smem:$0x3FB7]  }
0x3d: {  	_ =	shalt  }
0x3e: {  	_ =	shalt  }
0x3f: {  	_ =	shalt  }
0x40: {  	_ =	shalt  }
0x41: {  	_ =	shalt  }
0x42: {  	_ =	shalt  }
0x43: {  	_ =	shalt  }
0x44: {  	_ =	shalt  }
0x45: {  	_ =	shalt  }
0x46: {  	_ =	shalt  }
0x47: {  	_ =	shalt  }
0x48: {  	_ =	shalt  }
0x49: {  	_ =	shalt  }
0x4a: {  	_ =	shalt  }
0x4b: {  	_ =	shalt  }
0x4c: {  	_ =	shalt  }
0x4d: {  	_ =	shalt  }
0x4e: {  	_ =	shalt  }
0x4f: {  	_ =	shalt  }
0x50: {  	_ =	shalt  }
0x51: {  	_ =	shalt  }
0x52: {  	_ =	shalt  }
0x53: {  	_ =	shalt  }
0x54: {  	_ =	shalt  }
0x55: {  	_ =	shalt  }
0x56: {  	_ =	shalt  }
0x57: {  	_ =	shalt  }
0x58: {  	_ =	shalt  }
0x59: {  	_ =	shalt  }
0x5a: {  	_ =	shalt  }
0x5b: {  	_ =	shalt  }
0x5c: {  	_ =	shalt  }
0x5d: {  	_ =	shalt  }
0x5e: {  	_ =	shalt  }
0x5f: {  	_ =	shalt  }
0x60: {  	_ =	shalt  }
0x61: {  	_ =	shalt  }
0x62: {  	_ =	shalt  }
0x63: {  	_ =	shalt  }
0x64: {  	_ =	shalt  }
0x65: {  	_ =	shalt  }
0x66: {  	_ =	shalt  }
0x67: {  	_ =	shalt  }
0x68: {  	_ =	shalt  }
0x69: {  	_ =	shalt  }
0x6a: {  	_ =	shalt  }
0x6b: {  	_ =	shalt  }
0x6c: {  	_ =	shalt  }
0x6d: {  	_ =	shalt  }
0x6e: {  	_ =	shalt  }
0x6f: {  	_ =	shalt  }
0x70: {  	_ =	shalt  }
0x71: {  	_ =	shalt  }
0x72: {  	_ =	shalt  }
0x73: {  	_ =	shalt  }
0x74: {  	_ =	shalt  }
0x75: {  	_ =	shalt  }
0x76: {  	_ =	shalt  }
0x77: {  	_ =	shalt  }
0x78: {  	_ =	shalt  }
0x79: {  	_ =	shalt  }
0x7a: {  	_ =	shalt  }
0x7b: {  	_ =	shalt  }
0x7c: {  	_ =	shalt  }
0x7d: {  	_ =	shalt  }
0x7e: {  	_ =	shalt  }
0x7f: {  	_ =	shalt  }
0x80: {  	_ =	shalt  }
0x81: {  	_ =	shalt  }
0x82: {  	_ =	shalt  }
0x83: {  	_ =	shalt  }
0x84: {  	_ =	shalt  }
0x85: {  	_ =	shalt  }
0x86: {  	_ =	shalt  }
0x87: {  	_ =	shalt  }
.Lfunc_end0:
.L_simem_size_0:
called_computation_lowered:
.L_overlay_start_0:
0x88: {  	s2 =	sld [smem:$0x3FD9]  }
0x89: {  	s3 =	sld [smem:$0x3FFE];
	_ =	sdelay $0x1  }
0x8a: {  	s1 =	srdreg.scid  }
0x8b: {  	s0 =	sand.u32 $0x1, s1  }
0x8c: {  	s17 =	sshll.u32 s0, $0xA;
	s2 =	sadd.s32 s3, s2  }
0x8d: {  	s2 =	sadd.s32 s2, s17  }
0x8e: {  	[smem:$0x3FC3] =	sst s2  }
0x8f: {  	_ = 	snop  }
0x90: {  	s2 =	sld [smem:$0x3FC9]  }
0x91: {  	s18 =	sld [smem:$0x3FC6];
	(tm) =	ssettm $0x1  }
0x92: {  	s4 =	sld [smem:$0x3FFB];
	_ =	sdelay $0x3  }
0x93: {  	_ =	strace s4  }
0x94: {  	s4 =	sld [smem:$0x3FFC];
	_ =	sdelay $0x3  }
0x95: {  	_ =	strace s4  }
0x96: {  	s4 =	sld [smem:$0x3FFD];
	_ =	sdelay $0x3  }
0x97: {  	_ =	strace s4  }
0x98: {  	_ =	strace $0x8FFFFFFF  }
0x99: {  	s19 =	sld [smem:$0x3FDB];
	_ =	sdelay $0x1  }
0x9a: {  	s5 =	simm.s32 $_scs_section_size  }
0x9b: {  	s6 =	simm.s32 $_size__tile_overlayer_lowered;
	s7 =	simm.s32 $_tile_overlayer_lowered  }
0x9c: {  	s22 =	simm.s32 $0x1BFF;
	s21 =	sshll.u32 s7, $0x1;
	s4 =	sadd.s32 s5, s19  }
0x9d: {  	s8 =	simm.s32 $0x0;
	s20 =	sshll.u32 s6, $0x1;
	s6 =	sadd.s32 s21, s4  }
0x9e: {  	[timem:s8], [sflag:s22] =	dma.local [hbm:s6], s20  }
0x9f: {  	_ =	swait.ge [sflag:s22], s20  }
0xa0: {  	s5 =	ssub.s32 $0x0, s20;
	[sflag:s22] =	ssyncset.done $0x0  }
0xa1: {  	[sflag:s22] =	ssyncadd.s32 s5;
	_ =	sdelay $0x1  }
0xa2: {  	s23 =	simm.s32 $0x1B8B  }
0xa3: {  	_ =	swait.ge [sflag:s23], $0x1  }
0xa4: {  	[sflag:s23] =	ssyncset.done $0x0  }
0xa5: {  	s25 =	simm.s32 $0x1B8E;
	s24 =	sld [smem:$0x3FFE];
	[sflag:s23] =	ssyncadd.s32 $0xFFFFFFFF  }
0xa6: {  	s26 =	simm.s32 $execute0_lowered;
	[smem:$0x3FD2] =	sst s25  }
0xa7: {  	s6 =	sshll.u32 s26, $0x1;
	_ =	strace $0x80000046;
	[dreg:$0x1] =	wrdreg $0xFFFFFFFF  }
0xa8: {  	s28 =	simm.s32 $_size_execute0_lowered;
	s4 =	sadd.s32 s4, s6;
	[dreg:$0x0] =	wrdreg $0x0  }
0xa9: {  	s6 =	sshll.u32 s28, $0x1;
	[dreg:$0x2] =	wrdreg s4  }
0xaa: {  	[dreg:$0x3] =	wrdreg s6  }
0xab: {  	[dreg:$0x4] =	wrdreg $0xC0  }
0xac: {  	_ =	task [dreg:s8], $0x5FFFF  }
0xad: {  	[dreg:$0x1] =	wrdreg $0xFFFFFFFF  }
0xae: {  	[dreg:$0x0] =	wrdreg $0x60  }
0xaf: {  	[dreg:$0x2] =	wrdreg s2  }
0xb0: {  	[dreg:$0x3] =	wrdreg s24  }
0xb1: {  	[dreg:$0x4] =	wrdreg s18  }
0xb2: {  	[dreg:$0x5] =	wrdreg $0xD6000  }
0xb3: {  	[dreg:$0x6] =	wrdreg $0x9  }
0xb4: {  	_ =	task.clear_ibuf [dreg:s8], $0x7FFFF;
	_ =	strace $0x90000046  }
0xb5: {  	s29 =	simm.s32 $0x9;
	_ =	strace $0x80000048  }
0xb6: {  	_ =	swait.ge [sflag:s29], $0x1  }
0xb7: {  	[sflag:s29] =	ssyncadd.s32 $0xFFFFFFFF  }
0xb8: {  	_ =	strace $0x90000048  }
0xb9: {  	_ =	sfence  }
0xba: {  	s30 =	sld [smem:$0x0];
	_ =	sdelay $0x2  }
0xbb: {  	s31 =	sshll.u32 s1, $0xD;
	s1 =	sshrl.u32 s1, $0x2  }
0xbc: {  	s3 =	sand.u32 $0x4000, s31;
	s1 =	sadd.s32 s1, s30  }
0xbd: {  	s0 =	sor.u32 s3, s0;
	s1 =	sshll.u32 s1, $0x11  }
0xbe: {  	s0 =	sor.u32 s1, s0  }
0xbf: {  	s0 =	sadd.s32 $0x8F2B, s0  }
0xc0: {  	[sflag:s0] =	ssyncadd.remote.s32 $0x1  }
0xc1: {  	_ =	sfence.sel $0xFFFF  }
0xc2: {  	[dreg:$0x0] =	wrdreg $0xFFFFFFFF;
	(pc) =	sbr.abs _section_cstart, $3  }
0xc3: {  	[dreg:$0x1] =	wrdreg $0xFFFFFFFF  }
0xc4: {  	_ =	task.clear_ibuf [dreg:s8], $0x2FFFF;
	_ =	strace $0x9FFFFFFF  }
0xc5: {  	(tm) =	ssettm $0x7FFFFFFF  }
tec
execute0_lowered:
.L_overlay_start_1:
0x0: {  	(tag) =	ssettag $0x1  }
0x1: {  	s10 =	rddreg [dreg:$0x0]  }
0x2: {  	s0 =	rddreg [dreg:$0x1]  }
0x3: {  	s1 =	rddreg [dreg:$0x2]  }
0x4: {  	s2 =	rddreg [dreg:$0x3];
	s3 =	simm.s32 $0x0;
	s4 =	srdreg.scid  }
0x5: {  	s18 =	stileid.u32;
	s20 =	simm.s32 $0x80;
	s31 =	simm.s32 $0x0  }
0x6: {  	[smem:$0x7FF] =	sst s3;
	s4 =	sand.u32 $0x1, s4;
	s6 =	sshll.u32 s18, $0x7  }
0x7: {  	s22 =	sadd.s32 $0x10, s10;
	s23 =	sadd.s32 $0x20, s10;
	s24 =	sadd.s32 $0x30, s10  }
0x8: {  	s25 =	sadd.s32 $0x40, s10;
	s9 =	sadd.s32 $0x60, s10;
	s16 =	sshll.u32 s18, $0xD  }
0x9: {  	s28 =	sshll.u32 s18, $0x9;
	_ =	strace $0x80000047;
	[dreg:$0x5] =	wrdreg s22  }
0xa: {  	s29 =	sshll.u32 s18, $0x3;
	s30 =	sshll.u32 s18, $0xC;
	[dreg:$0x6] =	wrdreg s23  }
0xb: {  	s5 =	sshll.u32 s4, $0xB;
	s7 =	ssub.s32 $0x2, s4;
	[dreg:$0x7] =	wrdreg s24  }
0xc: {  	s4 =	sshll.u32 s4, $0xA;
	[dreg:$0x8] =	wrdreg s25;
	s26 =	sand.u32 $0x10000, s16  }
0xd: {  	s17 =	sand.u32 $0x70, s29;
	s22 =	simm.s32 $0x1000;
	s24 =	simm.s32 $0x1  }
0xe: {  	s25 =	simm.s32 $0x8000;
	s5 =	sor.u32 s6, s5;
	s8 =	sshrl.u32 s7, $0x1  }
0xf: {  	s6 =	sand.u32 $0x380, s6;
	s14 =	sadd.s32 s5, s0;
	s0 =	sadd.s32 s4, s0  }
0x10: {  	s21 =	ssub.s32 s7, s8;
	s8 =	sadd.s32 $0x50, s10;
	s10 =	sadd.s32 $0x70, s10  }
0x11: {  	s15 =	sadd.s32 s1, s5;
	s5 =	sand.u32 $0x200, s28;
	s1 =	sadd.s32 s26, s2  }
0x12: {  	s26 =	simm.s32 $0x2;
	s11 =	sadd.s32 $0x1E00, s14;
	s12 =	sadd.s32 $0xE00, s14  }
0x13: {  	s13 =	sadd.s32 $0x3E00, s14;
	s14 =	sadd.s32 $0x2E00, s14;
	s0 =	sadd.s32 s5, s0  }
0x14: {  	s16 =	sadd.s32 s6, s1;
	s19 =	smax.u32 s21, $0x1;
	s0 =	sadd.s32 s17, s0  }
0x15: {  	v0 =	vimm.f32 $0.0e+00;
	v1 =	vimm.s32 $0x0;
	s21 =	simm.s32 $0x400;
	s17 =	sadd.s32 s30, s2;
	s18 =	sadd.s32 $0x4E00, s0  }
.LBB2_1:
0x16: {  	s0 =	rddreg [dreg:$0x0]  }
0x17: {  	[tilespmem:s3], [sflag:$0x1] =	stream.strided.gather [hbm4b:s0+s20], $0x1000, s21, s20, $0x38;
	[tilespmem:$0xF600] =	vst v63  }
0x18: {  	s23 =	rddreg [dreg:$0x5]  }
0x19: {  	[tilespmem:s22], [sflag:$0x1] =	stream.strided.gather [hbm4b:s23+s20], $0x1000, s21, s20, $0x38;
	[tilespmem:$0xF600] =	vst v63  }
0x1a: {  	s28 =	rddreg [dreg:$0x6];
	s1 =	simm.s32 $0x2000  }
0x1b: {  	[tilespmem:s1], [sflag:$0x1] =	stream.strided.gather [hbm4b:s28+s20], $0x1000, s21, s20, $0x38;
	[tilespmem:$0xF600] =	vst v63  }
0x1c: {  	s29 =	rddreg [dreg:$0x7];
	s30 =	simm.s32 $0x3000  }
0x1d: {  	[tilespmem:s30], [sflag:$0x1] =	stream.strided.gather [hbm4b:s29+s20], $0x1000, s21, s20, $0x38;
	[tilespmem:$0xF600] =	vst v63  }
0x1e: {  	s2 =	simm.s32 $0x4000;
	s1 =	rddreg [dreg:$0x8]  }
0x1f: {  	[tilespmem:s2], [sflag:$0x1] =	stream.strided.gather [hbm4b:s1+s20], $0x1000, s21, s20, $0x38;
	[tilespmem:$0xF600] =	vst v63  }
0x20: {  	s4 =	simm.s32 $0x5000  }
0x21: {  	[tilespmem:s4], [sflag:$0x1] =	stream.strided.gather [hbm4b:s8+s20], $0x1000, s21, s20, $0x38;
	[tilespmem:$0xF600] =	vst v63  }
0x22: {  	s5 =	simm.s32 $0x6000  }
0x23: {  	[tilespmem:s5], [sflag:$0x1] =	stream.strided.gather [hbm4b:s9+s20], $0x1000, s21, s20, $0x38;
	[tilespmem:$0xF600] =	vst v63  }
0x24: {  	s6 =	simm.s32 $0x7000  }
0x25: {  	[tilespmem:s6], [sflag:$0x1] =	stream.strided.gather [hbm4b:s10+s20], $0x1000, s21, s20, $0x38;
	[tilespmem:$0xF600] =	vst v63  }
0x26: {  	s7 =	simm.s32 $0xA000  }
0x27: {  	[tilespmem:s7], [sflag:$0x1] =	stream.linear.gather [hbm4b:s11+s3], $0x400, $0x38;
	[tilespmem:$0xF600] =	vst v63  }
0x28: {  	s23 =	simm.s32 $0xA400  }
0x29: {  	[tilespmem:s23], [sflag:$0x1] =	stream.linear.gather [hbm4b:s12+s3], $0x400, $0x38;
	[tilespmem:$0xF600] =	vst v63  }
0x2a: {  	s28 =	simm.s32 $0xA800  }
0x2b: {  	[tilespmem:s28], [sflag:$0x1] =	stream.linear.gather [hbm4b:s13+s3], $0x400, $0x38;
	[tilespmem:$0xF600] =	vst v63  }
0x2c: {  	s29 =	simm.s32 $0xAC00  }
0x2d: {  	[tilespmem:s29], [sflag:$0x1] =	stream.linear.gather [hbm4b:s14+s3], $0x400, $0x38;
	[tilespmem:$0xF600] =	vst v63  }
0x2e: {  	s0 =	simm.s32 $0x8020;
	s30 =	simm.s32 $0xB000  }
0x2f: {  	[tilespmem:s30], [sflag:$0x1] =	stream.linear.gather [hbm4b:s15+s3], $0x400, $0x38;
	[tilespmem:$0xF600] =	vst v63  }
0x30: {  	[tilespmem:s0+$0xFFFFFFE0] =	vst v0  }
0x31: {  	[tilespmem:s0+$0x10] =	vst v0  }
0x32: {  	s1 =	simm.s32 $0x0;
	[tilespmem:s0+$0x0] =	vst v0  }
.LBB2_2:
0x33: {  	s1 =	sadd.s32 $0x40, s1  }
0x34: {  	[tilespmem:s0+$0xFFFFFFF0] =	vst v0;
	s0 =	sadd.s32 $0x40, s0;
	p0 =	slt.u32 s1, $0x1FC0  }
.Ltmp0:
0x35: {  	[tilespmem:s0+$0xFFFFFFE0] =	vst v0;
	(pc) =	sbr.rel @p0 .LBB2_2-.Ltmp0, $3  }
0x36: {  	_ =	sdelay $0x1  }
0x37: {  	[tilespmem:s0+$0x10] =	vst v0  }
0x38: {  	[tilespmem:s0+$0x0] =	vst v0  }
0x39: {  	[tilespmem:s0+$0xFFFFFFF0] =	vst v0  }
0x3a: {  	_ =	swait.ge [sflag:s24], $0x1000  }
0x3b: {  	[sflag:s24] =	ssyncset.done $0x0  }
0x3c: {  	[sflag:s24] =	ssyncadd.s32 $0xFFFFF000  }
0x3d: {  	_ =	swait.ge [sflag:s24], $0x1000  }
0x3e: {  	[sflag:s24] =	ssyncset.done $0x0  }
0x3f: {  	[sflag:s24] =	ssyncadd.s32 $0xFFFFF000  }
0x40: {  	_ =	swait.ge [sflag:s24], $0x1000  }
0x41: {  	[sflag:s24] =	ssyncset.done $0x0  }
0x42: {  	[sflag:s24] =	ssyncadd.s32 $0xFFFFF000  }
0x43: {  	_ =	swait.ge [sflag:s24], $0x1000  }
0x44: {  	[sflag:s24] =	ssyncset.done $0x0  }
0x45: {  	[sflag:s24] =	ssyncadd.s32 $0xFFFFF000  }
0x46: {  	_ =	swait.ge [sflag:s24], $0x1000  }
0x47: {  	[sflag:s24] =	ssyncset.done $0x0  }
0x48: {  	[sflag:s24] =	ssyncadd.s32 $0xFFFFF000  }
0x49: {  	_ =	swait.ge [sflag:s24], $0x1000  }
0x4a: {  	[sflag:s24] =	ssyncset.done $0x0  }
0x4b: {  	[sflag:s24] =	ssyncadd.s32 $0xFFFFF000  }
0x4c: {  	_ =	swait.ge [sflag:s24], $0x1000  }
0x4d: {  	[sflag:s24] =	ssyncset.done $0x0  }
0x4e: {  	[sflag:s24] =	ssyncadd.s32 $0xFFFFF000  }
0x4f: {  	_ =	swait.ge [sflag:s24], $0x1000  }
0x50: {  	[sflag:s24] =	ssyncset.done $0x0  }
0x51: {  	[sflag:s24] =	ssyncadd.s32 $0xFFFFF000  }
0x52: {  	_ =	swait.ge [sflag:s24], $0x400  }
0x53: {  	[sflag:s24] =	ssyncset.done $0x0  }
0x54: {  	[sflag:s24] =	ssyncadd.s32 $0xFFFFFC00  }
0x55: {  	_ =	swait.ge [sflag:s24], $0x400  }
0x56: {  	[sflag:s24] =	ssyncset.done $0x0  }
0x57: {  	[sflag:s24] =	ssyncadd.s32 $0xFFFFFC00  }
0x58: {  	_ =	swait.ge [sflag:s24], $0x400  }
0x59: {  	[sflag:s24] =	ssyncset.done $0x0  }
0x5a: {  	[sflag:s24] =	ssyncadd.s32 $0xFFFFFC00  }
0x5b: {  	_ =	swait.ge [sflag:s24], $0x400  }
0x5c: {  	[sflag:s24] =	ssyncset.done $0x0  }
0x5d: {  	[sflag:s24] =	ssyncadd.s32 $0xFFFFFC00  }
0x5e: {  	_ =	swait.ge [sflag:s24], $0x400  }
0x5f: {  	[sflag:s24] =	ssyncset.done $0x0  }
0x60: {  	s6 =	simm.s32 $0xA000;
	[sflag:s24] =	ssyncadd.s32 $0xFFFFFC00  }
0x61: {  	s7 =	simm.s32 $0xA400;
	v2 =	vld [tilespmem:s6+$0x0]  }
0x62: {  	s1 =	simm.s32 $0xA800;
	v4 =	vld [tilespmem:s7+$0x0]  }
0x63: {  	s23 =	simm.s32 $0xAC00;
	v3 =	vld [tilespmem:s1+$0x0]  }
0x64: {  	v5 =	vld [tilespmem:s23+$0x0];
	_ =	sdelay $0x2  }
0x65: {  	v6 =	vtrunc.f32 v4  }
0x66: {  	v3 =	vadd.f32 $9.999999970e-07, v3;
	v6 =	vcvt.f32.s32 v6  }
0x67: {  	v7 =	vtrunc.f32 v2;
	v5 =	vadd.f32 $9.999999970e-07, v5  }
0x68: {  	(erf) = vrcp.f32 v3;
	v3 =	vcvt.s32.f32 v6  }
0x69: {  	v9 =	vcvt.f32.s32 v7;
	(erf) = vrcp.f32 v5  }
0x6a: {  	vm0 =	vne.f32 v4, v3  }
0x6b: {  	v5 =	vcvt.s32.f32 v9;
	v7 =	vsel vm0, $0x1, v1  }
0x6c: {  	v8 =	vadd.s32 v6, v7  }
0x6d: {  	vm4 =	vne.f32 v2, v5;
	v10 =	vcvt.s32.f32 v8  }
0x6e: {  	v7 =	vsel vm4, $0x1, v1  }
0x6f: {  	v5 =	vsub.f32 v5, v2;
	v3 =	vsub.f32 v3, v4;
	v11 =	vadd.s32 v9, v7  }
0x70: {  	v7 =	vcvt.s32.f32 v11;
	v4 =	vsub.f32 v10, v4  }
0x71: {  	v5 =	vmul.f32 v5, v5;
	v3 =	vmul.f32 v3, v3;
	v10 =	vpop (erf)  }
0x72: {  	v2 =	vsub.f32 v7, v2;
	v4 =	vmul.f32 v4, v4;
	v12 =	vpop (erf)  }
0x73: {  	v5 =	vmul.f32 v10, v5;
	v3 =	vmul.f32 v12, v3  }
0x74: {  	v2 =	vmul.f32 v2, v2;
	v4 =	vmul.f32 v4, v12  }
0x75: {  	v7 =	vadd.f32 v3, v5  }
0x76: {  	v2 =	vmul.f32 v2, v10;
	v5 =	vadd.f32 v4, v5  }
0x77: {  	v7 =	vmul.f32 $-5.000000000e-01, v7  }
0x78: {  	v3 =	vadd.f32 v2, v3;
	v5 =	vmul.f32 $-5.000000000e-01, v5  }
0x79: {  	v2 =	vadd.f32 v4, v2;
	v7 =	vmul.f32 $1.442695020e+00, v7  }
0x7a: {  	v3 =	vmul.f32 $-5.000000000e-01, v3;
	v4 =	vmul.f32 $1.442695020e+00, v5  }
0x7b: {  	v2 =	vmul.f32 $-5.000000000e-01, v2;
	(erf) = vpow2.f32 v7  }
0x7c: {  	v3 =	vmul.f32 $1.442695020e+00, v3;
	(erf) = vpow2.f32 v4;
	_ =	sdelay $0x1  }
0x7d: {  	v2 =	vmul.f32 $1.442695020e+00, v2;
	(erf) = vpow2.f32 v3;
	_ =	sdelay $0x1  }
0x7e: {  	(erf) = vpow2.f32 v2;
	_ =	sdelay $0x2  }
0x7f: {  	s2 =	simm.s32 $0xA810  }
0x80: {  	s4 =	simm.s32 $0xAC10;
	v2 =	vld [tilespmem:s2+$0x0];
	v3 =	vpop (erf)  }
0x81: {  	v5 =	vld [tilespmem:s4+$0x0];
	v4 =	vpop (erf)  }
0x82: {  	v7 =	vadd.f32 v4, v3  }
0x83: {  	s6 =	simm.s32 $0xA410;
	v12 =	vpop (erf)  }
0x84: {  	v16 =	vld [tilespmem:s6+$0x0];
	v7 =	vadd.f32 v7, v12  }
0x85: {  	v2 =	vadd.f32 $9.999999970e-07, v2;
	v14 =	vpop (erf)  }
0x86: {  	s5 =	simm.s32 $0xA010;
	v5 =	vadd.f32 $9.999999970e-07, v5;
	v7 =	vadd.f32 v7, v14  }
0x87: {  	v15 =	vld [tilespmem:s5+$0x0];
	(erf) = vrcp.f32 v2  }
0x88: {  	(erf) = vrcp.f32 v5;
	v2 =	vadd.f32 $9.999999970e-07, v7  }
0x89: {  	v5 =	vtrunc.f32 v16  }
0x8a: {  	vm5 =	vgt.s32 v6, $0x0;
	v17 =	vcvt.f32.s32 v5;
	(erf) = vrcp.f32 v2  }
0x8b: {  	v6 =	vnsel vm5, $0x0, v6  }
0x8c: {  	vm6 =	vgt.s32 v8, $0x0;
	v13 =	vcvt.s32.f32 v17;
	v2 =	vtrunc.f32 v15  }
0x8d: {  	v7 =	vmin.u32 v6, $0xFFF;
	v10 =	vcvt.f32.s32 v2;
	v2 =	vnsel vm6, $0x0, v8  }
0x8e: {  	s7 =	simm.s32 $0xB000;
	v20 =	vsub.f32 v13, v16;
	v8 =	vmin.u32 v2, $0xFFF  }
0x8f: {  	v6 =	vld [tilespmem:s7+$0x0];
	v5 =	vcvt.s32.f32 v10  }
0x90: {  	vm7 =	vgt.s32 v9, $0x0;
	v20 =	vmul.f32 v20, v20;
	v18 =	vpop (erf)  }
0x91: {  	vm9 =	vgt.s32 v11, $0x0;
	v19 =	vpop (erf);
	v2 =	vnsel vm7, $0x0, v9;
	v9 =	vsub.f32 v5, v15  }
0x92: {  	vm1 =	vne.f32 v16, v13;
	v20 =	vmul.f32 v19, v20;
	v21 =	vld.idx.msk [tilespmem:v7+s3+$0x0], $0xffff;
	vm8 =	vne.f32 v15, v5  }
0x93: {  	v5 =	vsel vm8, $0x1, v1;
	v22 =	vmul.f32 v9, v9;
	v23 =	vld.idx.msk [tilespmem:v8+s3+$0x0], $0xffff;
	v9 =	vsel vm1, $0x1, v1;
	v24 =	vpop (erf)  }
0x94: {  	v13 =	vadd.s32 v10, v5;
	v25 =	vadd.s32 v17, v9;
	v6 =	vmul.f32 v24, v6  }
0x95: {  	v2 =	vmin.u32 v2, $0x3FF;
	v26 =	vcvt.s32.f32 v13;
	v27 =	vcvt.s32.f32 v25  }
0x96: {  	v9 =	vnsel vm9, $0x0, v11;
	v3 =	vmul.f32 v6, v3;
	v4 =	vmul.f32 v6, v4  }
0x97: {  	v9 =	vmin.u32 v9, $0x3FF;
	v5 =	vmul.f32 v6, v12;
	v6 =	vmul.f32 v6, v14  }
0x98: {  	v14 =	vsub.f32 v27, v16;
	v11 =	vmul.f32 v3, v21;
	v12 =	vmul.f32 v4, v23  }
0x99: {  	v24 =	vor.u32 $0x1000, v7;
	v16 =	vmul.f32 v5, v21;
	v21 =	vmul.f32 v6, v23  }
0x9a: {  	v15 =	vsub.f32 v26, v15;
	v14 =	vmul.f32 v14, v14;
	v11 =	vadd.f32 v12, v11  }
0x9b: {  	v12 =	vor.u32 $0x1000, v8;
	v16 =	vadd.f32 v21, v16;
	v21 =	vmul.f32 v18, v22  }
0x9c: {  	v14 =	vmul.f32 v14, v19;
	[tilespmem:v2+s25+$0x0] =	vst.idx.add.f32.msk $0xffff, v11;
	v11 =	vmul.f32 v15, v15  }
0x9d: {  	[tilespmem:v9+s25+$0x0] =	vst.idx.add.f32.msk $0xffff, v16  }
0x9e: {  	v16 =	vadd.f32 v20, v21;
	v11 =	vmul.f32 v11, v18;
	v18 =	vadd.f32 v14, v21  }
0x9f: {  	v15 =	vld.idx.msk [tilespmem:v24+s3+$0x0], $0xffff  }
0xa0: {  	v12 =	vld.idx.msk [tilespmem:v12+s3+$0x0], $0xffff;
	v16 =	vmul.f32 $-5.000000000e-01, v16;
	v18 =	vmul.f32 $-5.000000000e-01, v18  }
0xa1: {  	v19 =	vadd.f32 v11, v20;
	v11 =	vadd.f32 v14, v11  }
0xa2: {  	v16 =	vmul.f32 $1.442695020e+00, v16;
	v18 =	vmul.f32 $1.442695020e+00, v18  }
0xa3: {  	v19 =	vmul.f32 $-5.000000000e-01, v19;
	v11 =	vmul.f32 $-5.000000000e-01, v11  }
0xa4: {  	v21 =	vor.u32 $0x400, v2;
	v14 =	vmul.f32 v3, v15;
	v15 =	vmul.f32 v5, v15  }
0xa5: {  	v22 =	vor.u32 $0x400, v9;
	(erf) = vpow2.f32 v16;
	v20 =	vmul.f32 v4, v12  }
0xa6: {  	v16 =	vor.u32 $0x2000, v7;
	v12 =	vmul.f32 v6, v12;
	v19 =	vmul.f32 $1.442695020e+00, v19  }
0xa7: {  	(erf) = vpow2.f32 v18;
	v18 =	vor.u32 $0x2000, v8;
	v14 =	vadd.f32 v20, v14  }
0xa8: {  	v12 =	vadd.f32 v12, v15  }
0xa9: {  	v11 =	vmul.f32 $1.442695020e+00, v11;
	(erf) = vpow2.f32 v19;
	[tilespmem:v21+s25+$0x0] =	vst.idx.add.f32.msk $0xffff, v14  }
0xaa: {  	[tilespmem:v22+s25+$0x0] =	vst.idx.add.f32.msk $0xffff, v12  }
0xab: {  	(erf) = vpow2.f32 v11;
	v11 =	vld.idx.msk [tilespmem:v16+s3+$0x0], $0xffff  }
0xac: {  	v12 =	vld.idx.msk [tilespmem:v18+s3+$0x0], $0xffff  }
0xad: {  	s0 =	simm.s32 $0xA820  }
0xae: {  	s23 =	simm.s32 $0xA020;
	v14 =	vld [tilespmem:s0+$0x0]  }
0xaf: {  	s2 =	simm.s32 $0xAC20;
	v22 =	vld [tilespmem:s23+$0x0];
	v15 =	vpop (erf)  }
0xb0: {  	v27 =	vor.u32 $0x800, v9;
	s23 =	simm.s32 $0xA420;
	v16 =	vld [tilespmem:s2+$0x0];
	v18 =	vor.u32 $0x800, v2;
	v23 =	vpop (erf)  }
0xb1: {  	v24 =	vld [tilespmem:s23+$0x0];
	v19 =	vadd.f32 v23, v15;
	v21 =	vmul.f32 v3, v11;
	v26 =	vmul.f32 v4, v12  }
0xb2: {  	v20 =	vor.u32 $0x3000, v7;
	v28 =	vpop (erf);
	v11 =	vmul.f32 v5, v11;
	v12 =	vmul.f32 v6, v12  }
0xb3: {  	v19 =	vadd.f32 v19, v28;
	v21 =	vadd.f32 v26, v21;
	v26 =	vor.u32 $0x3000, v8  }
0xb4: {  	vm11 =	vgt.s32 v17, $0x0;
	v29 =	vpop (erf);
	v11 =	vadd.f32 v12, v11  }
0xb5: {  	v31 =	vor.u32 $0x4000, v7;
	v14 =	vadd.f32 $9.999999970e-07, v14;
	v12 =	vadd.f32 v19, v29;
	[tilespmem:v18+s25+$0x0] =	vst.idx.add.f32.msk $0xffff, v21  }
0xb6: {  	vm10 =	vgt.s32 v10, $0x0;
	v30 =	vtrunc.f32 v24;
	v16 =	vadd.f32 $9.999999970e-07, v16;
	[tilespmem:v27+s25+$0x0] =	vst.idx.add.f32.msk $0xffff, v11  }
0xb7: {  	(erf) = vrcp.f32 v14;
	v19 =	vtrunc.f32 v22;
	v11 =	vadd.f32 $9.999999970e-07, v12;
	v14 =	vld.idx.msk [tilespmem:v20+s3+$0x0], $0xffff  }
0xb8: {  	v35 =	vor.u32 $0x4000, v8;
	(erf) = vrcp.f32 v16;
	v18 =	vcvt.f32.s32 v19;
	v20 =	vld.idx.msk [tilespmem:v26+s3+$0x0], $0xffff  }
0xb9: {  	v32 =	vor.u32 $0x1000, v2;
	v19 =	vcvt.f32.s32 v30;
	(erf) = vrcp.f32 v11  }
0xba: {  	v10 =	vnsel vm10, $0x0, v10;
	vm12 =	vgt.s32 v25, $0x0;
	v16 =	vcvt.s32.f32 v18  }
0xbb: {  	v12 =	vnsel vm12, $0x0, v25;
	v21 =	vcvt.s32.f32 v19;
	v11 =	vnsel vm11, $0x0, v17  }
0xbc: {  	v12 =	vmin.u32 v12, $0xFFF;
	v11 =	vmin.u32 v11, $0xFFF;
	v17 =	vsub.f32 v16, v22  }
0xbd: {  	s28 =	simm.s32 $0xB010;
	vm13 =	vne.f32 v22, v16;
	v16 =	vor.u32 $0xC00, v2;
	v26 =	vmul.f32 v4, v20  }
0xbe: {  	v27 =	vld [tilespmem:s28+$0x0];
	v25 =	vsub.f32 v21, v24;
	vm14 =	vne.f32 v24, v21;
	v21 =	vmul.f32 v3, v14  }
0xbf: {  	v10 =	vmin.u32 v10, $0x3FF;
	v30 =	vor.u32 $0xC00, v9;
	v37 =	vmul.f32 v17, v17  }
0xc0: {  	v33 =	vpop (erf);
	v14 =	vmul.f32 v5, v14;
	v20 =	vmul.f32 v6, v20;
	v21 =	vadd.f32 v26, v21  }
0xc1: {  	vm15 =	vgt.s32 v13, $0x0;
	v36 =	vsel vm13, $0x1, v1;
	v25 =	vmul.f32 v25, v25;
	v34 =	vld.idx.msk [tilespmem:v11+s3+$0x0], $0xffff;
	v26 =	vpop (erf)  }
0xc2: {  	v58 =	vmul.f32 v33, v37;
	v14 =	vadd.f32 v20, v14;
	[tilespmem:v16+s25+$0x0] =	vst.idx.add.f32.msk $0xffff, v21;
	v16 =	vsel vm14, $0x1, v1;
	v17 =	vpop (erf)  }
0xc3: {  	v38 =	vld.idx.msk [tilespmem:v12+s3+$0x0], $0xffff;
	v20 =	vadd.s32 v18, v36;
	v21 =	vadd.s32 v19, v16;
	v16 =	vmul.f32 v17, v27  }
0xc4: {  	[tilespmem:v30+s25+$0x0] =	vst.idx.add.f32.msk $0xffff, v14;
	v30 =	vcvt.s32.f32 v20;
	v25 =	vmul.f32 v26, v25;
	v27 =	vor.u32 $0x1000, v11  }
0xc5: {  	v56 =	vcvt.s32.f32 v21;
	v17 =	vnsel vm15, $0x0, v13;
	v14 =	vmul.f32 v16, v15  }
0xc6: {  	v31 =	vld.idx.msk [tilespmem:v31+s3+$0x0], $0xffff;
	v17 =	vmin.u32 v17, $0x3FF;
	v15 =	vmul.f32 v16, v23;
	v13 =	vmul.f32 v16, v28  }
0xc7: {  	v23 =	vld.idx.msk [tilespmem:v35+s3+$0x0], $0xffff;
	v16 =	vmul.f32 v16, v29;
	v24 =	vsub.f32 v56, v24;
	v28 =	vmul.f32 v14, v34  }
0xc8: {  	v22 =	vsub.f32 v30, v22;
	v29 =	vmul.f32 v15, v38;
	v30 =	vmul.f32 v13, v34  }
0xc9: {  	v63 =	vadd.f32 v25, v58;
	v57 =	vmul.f32 v16, v38;
	v24 =	vmul.f32 v24, v24  }
0xca: {  	v22 =	vmul.f32 v22, v22;
	v28 =	vadd.f32 v29, v28;
	v29 =	vor.u32 $0x1000, v12  }
0xcb: {  	v59 =	vmul.f32 v31, v3;
	v30 =	vadd.f32 v57, v30;
	v24 =	vmul.f32 v24, v26  }
0xcc: {  	v26 =	vmul.f32 v22, v33;
	v60 =	vmul.f32 v23, v4;
	[tilespmem:v10+s25+$0x0] =	vst.idx.add.f32.msk $0xffff, v28;
	v28 =	vor.u32 $0x1000, v9  }
0xcd: {  	v62 =	vor.u32 $0x5000, v7;
	v61 =	vmul.f32 v31, v5;
	v23 =	vmul.f32 v23, v6;
	[tilespmem:v17+s25+$0x0] =	vst.idx.add.f32.msk $0xffff, v30  }
0xce: {  	v39 =	vor.u32 $0x5000, v8;
	v33 =	vadd.f32 v26, v25;
	v30 =	vld.idx.msk [tilespmem:v27+s3+$0x0], $0xffff;
	v27 =	vadd.f32 v60, v59  }
0xcf: {  	v22 =	vadd.f32 v24, v58;
	v23 =	vadd.f32 v23, v61;
	v31 =	vld.idx.msk [tilespmem:v29+s3+$0x0], $0xffff  }
0xd0: {  	v35 =	vmul.f32 $-5.000000000e-01, v33;
	[tilespmem:v32+s25+$0x0] =	vst.idx.add.f32.msk $0xffff, v27  }
0xd1: {  	v27 =	vmul.f32 $-5.000000000e-01, v63;
	[tilespmem:v28+s25+$0x0] =	vst.idx.add.f32.msk $0xffff, v23;
	v23 =	vmul.f32 $-5.000000000e-01, v22  }
0xd2: {  	v33 =	vor.u32 $0x400, v17;
	v29 =	vor.u32 $0x2000, v11;
	v32 =	vor.u32 $0x400, v10;
	v25 =	vld.idx.msk [tilespmem:v62+s3+$0x0], $0xffff  }
0xd3: {  	s29 =	simm.s32 $0x20;
	s30 =	simm.s32 $0xA030;
	v22 =	vor.u32 $0x1400, v2;
	v27 =	vmul.f32 $1.442695020e+00, v27;
	v28 =	vld.idx.msk [tilespmem:v39+s3+$0x0], $0xffff;
	v34 =	vmul.f32 $1.442695020e+00, v23  }
.LBB2_4:
0xd4: {  	v23 =	vld [tilespmem:s30+$0x0];
	v24 =	vadd.f32 v24, v26;
	s0 =	sadd.s32 $0x10, s0;
	v26 =	vmul.f32 v14, v30;
	v36 =	vmul.f32 v15, v31  }
0xd5: {  	s2 =	sadd.s32 $0x10, s2;
	v30 =	vmul.f32 v13, v30;
	v31 =	vmul.f32 v16, v31;
	v38 =	vor.u32 $0x2000, v12;
	v37 =	vld [tilespmem:s0+$0x0]  }
0xd6: {  	s23 =	sadd.s32 $0x10, s23;
	v39 =	vld [tilespmem:s2+$0x0];
	v40 =	vmul.f32 $-5.000000000e-01, v24;
	(erf) = vpow2.f32 v27;
	v26 =	vadd.f32 v36, v26  }
0xd7: {  	v27 =	vmul.f32 $1.442695020e+00, v35;
	v30 =	vadd.f32 v31, v30;
	v24 =	vld [tilespmem:s23+$0x0];
	(erf) = vpow2.f32 v34  }
0xd8: {  	v31 =	vmul.f32 v28, v4;
	[tilespmem:v32+s25+$0x0] =	vst.idx.add.f32.msk $0xffff, v26;
	v26 =	vmul.f32 v25, v3;
	v32 =	vor.u32 $0x1400, v9  }
0xd9: {  	v28 =	vmul.f32 v28, v6;
	v25 =	vmul.f32 v25, v5;
	[tilespmem:v33+s25+$0x0] =	vst.idx.add.f32.msk $0xffff, v30;
	v30 =	vor.u32 $0x6000, v7  }
0xda: {  	(erf) = vpow2.f32 v27;
	v27 =	vld.idx.msk [tilespmem:v29+s3+$0x0], $0xffff;
	v26 =	vadd.f32 v31, v26;
	v29 =	vor.u32 $0x6000, v8  }
0xdb: {  	v31 =	vmul.f32 $1.442695020e+00, v40;
	v25 =	vadd.f32 v28, v25;
	v33 =	vld.idx.msk [tilespmem:v38+s3+$0x0], $0xffff  }
0xdc: {  	v28 =	vtrunc.f32 v23;
	v35 =	vadd.f32 $9.999999970e-07, v37;
	v34 =	vtrunc.f32 v24;
	[tilespmem:v22+s25+$0x0] =	vst.idx.add.f32.msk $0xffff, v26  }
0xdd: {  	v26 =	vcvt.f32.s32 v28;
	v22 =	vadd.f32 $9.999999970e-07, v39;
	(erf) = vpow2.f32 v31;
	[tilespmem:v32+s25+$0x0] =	vst.idx.add.f32.msk $0xffff, v25  }
0xde: {  	v25 =	vcvt.f32.s32 v34;
	(erf) = vrcp.f32 v35;
	v28 =	vld.idx.msk [tilespmem:v30+s3+$0x0], $0xffff  }
0xdf: {  	vm0 =	vgt.s32 v18, $0x0;
	vm1 =	vgt.s32 v19, $0x0;
	(erf) = vrcp.f32 v22;
	v30 =	vpop (erf);
	v22 =	vld.idx.msk [tilespmem:v29+s3+$0x0], $0xffff  }
0xe0: {  	v32 =	vor.u32 $0x800, v10;
	v34 =	vor.u32 $0x3000, v11;
	v29 =	vcvt.s32.f32 v26;
	v31 =	vpop (erf)  }
0xe1: {  	v37 =	vor.u32 $0x800, v17;
	v35 =	vmul.f32 v14, v27;
	v36 =	vmul.f32 v15, v33  }
0xe2: {  	v27 =	vmul.f32 v13, v27;
	v33 =	vmul.f32 v16, v33;
	v38 =	vadd.f32 v31, v30  }
0xe3: {  	v39 =	vcvt.s32.f32 v25;
	v35 =	vadd.f32 v36, v35;
	v36 =	vor.u32 $0x3000, v12;
	v40 =	vpop (erf)  }
0xe4: {  	v27 =	vadd.f32 v33, v27;
	v33 =	vor.u32 $0x1800, v2;
	v38 =	vadd.f32 v38, v40  }
0xe5: {  	v41 =	vor.u32 $0x1800, v9;
	v43 =	vmul.f32 v22, v4;
	[tilespmem:v32+s25+$0x0] =	vst.idx.add.f32.msk $0xffff, v35;
	v32 =	vmul.f32 v28, v3  }
0xe6: {  	v7 =	vor.u32 $0x7000, v7;
	v42 =	vpop (erf);
	[tilespmem:v37+s25+$0x0] =	vst.idx.add.f32.msk $0xffff, v27;
	v27 =	vmul.f32 v28, v5;
	v28 =	vmul.f32 v22, v6  }
0xe7: {  	v8 =	vor.u32 $0x7000, v8;
	v22 =	vpop (erf);
	v37 =	vadd.f32 v38, v42;
	v34 =	vld.idx.msk [tilespmem:v34+s3+$0x0], $0xffff;
	v32 =	vadd.f32 v43, v32  }
0xe8: {  	v44 =	vnsel vm1, $0x0, v19;
	v43 =	vnsel vm0, $0x0, v18;
	v35 =	vpop (erf);
	v36 =	vld.idx.msk [tilespmem:v36+s3+$0x0], $0xffff;
	v27 =	vadd.f32 v28, v27  }
0xe9: {  	v19 =	vmovc v25;
	v38 =	vmin.u32 v44, $0xFFF;
	v18 =	vmovc v26;
	v28 =	vadd.f32 $9.999999970e-07, v37;
	v37 =	vmin.u32 v43, $0x3FF;
	[tilespmem:v33+s25+$0x0] =	vst.idx.add.f32.msk $0xffff, v32  }
0xea: {  	v25 =	vsub.f32 v29, v23;
	v26 =	vsub.f32 v39, v24;
	vm0 =	vgt.s32 v21, $0x0;
	[tilespmem:v41+s25+$0x0] =	vst.idx.add.f32.msk $0xffff, v27  }
0xeb: {  	vm1 =	vne.f32 v23, v29;
	v21 =	vnsel vm0, $0x0, v21;
	(erf) = vrcp.f32 v28;
	v27 =	vld.idx.msk [tilespmem:v7+s3+$0x0], $0xffff;
	v7 =	vmovc v11;
	v11 =	vmovc v38  }
0xec: {  	v29 =	vor.u32 $0x1C00, v2;
	v2 =	vmovc v10;
	vm0 =	vne.f32 v24, v39;
	v21 =	vmin.u32 v21, $0xFFF;
	v10 =	vmovc v37;
	v28 =	vld.idx.msk [tilespmem:v8+s3+$0x0], $0xffff  }
0xed: {  	v32 =	vor.u32 $0xC00, v2;
	v33 =	vor.u32 $0x1000, v2;
	v37 =	vor.u32 $0x5000, v7;
	v8 =	vmovc v12;
	v12 =	vmovc v21  }
0xee: {  	s28 =	sadd.s32 $0x10, s28;
	v41 =	vor.u32 $0xC00, v17;
	v38 =	vmul.f32 v14, v34;
	v39 =	vmul.f32 v15, v36  }
0xef: {  	v34 =	vmul.f32 v13, v34;
	v44 =	vor.u32 $0x4000, v7;
	v36 =	vmul.f32 v16, v36;
	v43 =	vld [tilespmem:s28+$0x0]  }
0xf0: {  	v46 =	vor.u32 $0x1000, v11;
	v38 =	vadd.f32 v39, v38;
	v39 =	vor.u32 $0x4000, v8;
	v45 =	vld.idx.msk [tilespmem:v11+s3+$0x0], $0xffff  }
0xf1: {  	v47 =	vsel vm1, $0x1, v1;
	v25 =	vmul.f32 v25, v25;
	v48 =	vld.idx.msk [tilespmem:v21+s3+$0x0], $0xffff;
	v21 =	vadd.f32 v36, v34  }
0xf2: {  	v9 =	vor.u32 $0x1C00, v9;
	v3 =	vmul.f32 v27, v3;
	v4 =	vmul.f32 v28, v4;
	[tilespmem:v32+s25+$0x0] =	vst.idx.add.f32.msk $0xffff, v38  }
0xf3: {  	v5 =	vmul.f32 v27, v5;
	v6 =	vmul.f32 v28, v6;
	v32 =	vsel vm0, $0x1, v1;
	[tilespmem:v41+s25+$0x0] =	vst.idx.add.f32.msk $0xffff, v21  }
0xf4: {  	v26 =	vmul.f32 v26, v26;
	v27 =	vadd.s32 v18, v47;
	v41 =	vadd.f32 v4, v3;
	v28 =	vpop (erf);
	v34 =	vld.idx.msk [tilespmem:v44+s3+$0x0], $0xffff  }
0xf5: {  	v21 =	vadd.s32 v19, v32;
	v38 =	vadd.f32 v6, v5;
	v28 =	vmul.f32 v28, v43;
	v32 =	vld.idx.msk [tilespmem:v39+s3+$0x0], $0xffff  }
0xf6: {  	vm0 =	vgt.s32 v20, $0x0;
	v36 =	vcvt.s32.f32 v21;
	v3 =	vmovc v14;
	v39 =	vcvt.s32.f32 v27;
	v4 =	vmovc v15;
	[tilespmem:v29+s25+$0x0] =	vst.idx.add.f32.msk $0xffff, v41  }
0xf7: {  	v14 =	vmul.f32 v28, v30;
	v15 =	vmul.f32 v28, v31;
	v30 =	vnsel vm0, $0x0, v20;
	[tilespmem:v9+s25+$0x0] =	vst.idx.add.f32.msk $0xffff, v38  }
0xf8: {  	v5 =	vmovc v13;
	v38 =	vmul.f32 v28, v42;
	v20 =	vmovc v27;
	v13 =	vmul.f32 v28, v40;
	v29 =	vmin.u32 v30, $0x3FF  }
0xf9: {  	v6 =	vmovc v16;
	v23 =	vsub.f32 v39, v23;
	v27 =	vmul.f32 v14, v45;
	v28 =	vmul.f32 v15, v48  }
0xfa: {  	v24 =	vsub.f32 v36, v24;
	v30 =	vmul.f32 v13, v45;
	v31 =	vmul.f32 v38, v48;
	v16 =	vmovc v38  }
0xfb: {  	v25 =	vmul.f32 v22, v25;
	v9 =	vmovc v17;
	v17 =	vmovc v29;
	v27 =	vadd.f32 v28, v27;
	v28 =	vor.u32 $0x1000, v12  }
0xfc: {  	v36 =	vmul.f32 v35, v26;
	v24 =	vmul.f32 v24, v24;
	v26 =	vadd.f32 v31, v30  }
0xfd: {  	v38 =	vor.u32 $0x1000, v9;
	v31 =	vmul.f32 v32, v4;
	[tilespmem:v10+s25+$0x0] =	vst.idx.add.f32.msk $0xffff, v27;
	v27 =	vmul.f32 v34, v3  }
0xfe: {  	[tilespmem:v29+s25+$0x0] =	vst.idx.add.f32.msk $0xffff, v26;
	v26 =	vmul.f32 v34, v5;
	v29 =	vmul.f32 v32, v6;
	v34 =	vor.u32 $0x5000, v8  }
0xff: {  	s29 =	sadd.s32 $0x10, s29;
	v23 =	vmul.f32 v23, v23;
	v24 =	vmul.f32 v24, v35;
	v30 =	vld.idx.msk [tilespmem:v46+s3+$0x0], $0xffff;
	v27 =	vadd.f32 v31, v27  }
0x100: {  	p0 =	slt.u32 s29, $0x3F0;
	v32 =	vadd.f32 v36, v25;
	v31 =	vld.idx.msk [tilespmem:v28+s3+$0x0], $0xffff;
	v28 =	vadd.f32 v29, v26  }
.Ltmp1:
0x101: {  	v26 =	vmul.f32 v23, v22;
	v22 =	vadd.f32 v24, v25;
	[tilespmem:v33+s25+$0x0] =	vst.idx.add.f32.msk $0xffff, v27;
	(pc) =	sbr.rel @p0 .LBB2_4-.Ltmp1, $4  }
0x102: {  	v23 =	vmul.f32 $-5.000000000e-01, v32;
	[tilespmem:v38+s25+$0x0] =	vst.idx.add.f32.msk $0xffff, v28  }
0x103: {  	v33 =	vmul.f32 $-5.000000000e-01, v22;
	v35 =	vadd.f32 v26, v36;
	v22 =	vor.u32 $0x1400, v2;
	v25 =	vld.idx.msk [tilespmem:v37+s3+$0x0], $0xffff  }
0x104: {  	v32 =	vor.u32 $0x400, v10;
	v29 =	vor.u32 $0x2000, v11;
	v27 =	vmul.f32 $1.442695020e+00, v23;
	v28 =	vld.idx.msk [tilespmem:v34+s3+$0x0], $0xffff  }
0x105: {  	s30 =	sadd.s32 $0x10, s30;
	v34 =	vmul.f32 $1.442695020e+00, v33;
	v35 =	vmul.f32 $-5.000000000e-01, v35;
	v33 =	vor.u32 $0x400, v17  }
0x106: {  	v23 =	vadd.f32 v24, v26  }
0x107: {  	(erf) = vpow2.f32 v27;
	v56 =	vmul.f32 $1.442695020e+00, v35  }
0x108: {  	(erf) = vpow2.f32 v34;
	v23 =	vmul.f32 $-5.000000000e-01, v23;
	_ =	sdelay $0x1  }
0x109: {  	(erf) = vpow2.f32 v56;
	v23 =	vmul.f32 $1.442695020e+00, v23;
	_ =	sdelay $0x1  }
0x10a: {  	(erf) = vpow2.f32 v23;
	_ =	sdelay $0x3  }
0x10b: {  	v57 =	vpop (erf)  }
0x10c: {  	v58 =	vpop (erf)  }
0x10d: {  	v59 =	vadd.f32 v58, v57  }
0x10e: {  	v60 =	vpop (erf)  }
0x10f: {  	v26 =	vadd.f32 v59, v60  }
0x110: {  	v61 =	vpop (erf)  }
0x111: {  	v26 =	vadd.f32 v26, v61;
	_ =	sdelay $0x1  }
0x112: {  	v26 =	vadd.f32 $9.999999970e-07, v26;
	_ =	sdelay $0x1  }
0x113: {  	(erf) = vrcp.f32 v26  }
0x114: {  	vm0 =	vgt.s32 v19, $0x0  }
0x115: {  	vm13 =	vgt.s32 v21, $0x0;
	v19 =	vnsel vm0, $0x0, v19  }
0x116: {  	v62 =	vnsel vm13, $0x0, v21;
	v27 =	vmin.u32 v19, $0xFFF  }
0x117: {  	s0 =	sadd.s32 $0x10, s28;
	v26 =	vmin.u32 v62, $0xFFF  }
0x118: {  	v63 =	vld [tilespmem:s0+$0x0];
	_ =	sdelay $0x2  }
0x119: {  	v36 =	vld.idx.msk [tilespmem:v27+s3+$0x0], $0xffff  }
0x11a: {  	v37 =	vld.idx.msk [tilespmem:v26+s3+$0x0], $0xffff;
	v39 =	vpop (erf)  }
0x11b: {  	vm14 =	vgt.s32 v18, $0x0;
	v19 =	vmul.f32 v39, v63  }
0x11c: {  	vm15 =	vgt.s32 v20, $0x0;
	v18 =	vnsel vm14, $0x0, v18  }
0x11d: {  	v20 =	vnsel vm15, $0x0, v20;
	v23 =	vmul.f32 v19, v57;
	v24 =	vmul.f32 v19, v58  }
0x11e: {  	v21 =	vmin.u32 v18, $0x3FF;
	v18 =	vmul.f32 v19, v60;
	v19 =	vmul.f32 v19, v61  }
0x11f: {  	v20 =	vmin.u32 v20, $0x3FF;
	v40 =	vmul.f32 v23, v36;
	v41 =	vmul.f32 v24, v37  }
0x120: {  	v38 =	vor.u32 $0x1000, v27;
	v36 =	vmul.f32 v18, v36;
	v37 =	vmul.f32 v19, v37  }
0x121: {  	v42 =	vor.u32 $0x1000, v26;
	v34 =	vadd.f32 v41, v40  }
0x122: {  	v36 =	vadd.f32 v37, v36  }
0x123: {  	[tilespmem:v21+s25+$0x0] =	vst.idx.add.f32.msk $0xffff, v34  }
0x124: {  	[tilespmem:v20+s25+$0x0] =	vst.idx.add.f32.msk $0xffff, v36  }
0x125: {  	v34 =	vld.idx.msk [tilespmem:v38+s3+$0x0], $0xffff  }
0x126: {  	v35 =	vld.idx.msk [tilespmem:v42+s3+$0x0], $0xffff  }
0x127: {  	v43 =	vmul.f32 v14, v30;
	v44 =	vmul.f32 v15, v31  }
0x128: {  	v45 =	vmul.f32 v13, v30;
	v46 =	vmul.f32 v16, v31  }
0x129: {  	v47 =	vor.u32 $0x2000, v12;
	v36 =	vadd.f32 v44, v43  }
0x12a: {  	v30 =	vadd.f32 v46, v45;
	v48 =	vor.u32 $0x400, v21  }
0x12b: {  	v49 =	vor.u32 $0x400, v20;
	[tilespmem:v32+s25+$0x0] =	vst.idx.add.f32.msk $0xffff, v36;
	v50 =	vmul.f32 v23, v34;
	v51 =	vmul.f32 v24, v35  }
0x12c: {  	v52 =	vor.u32 $0x2000, v27;
	[tilespmem:v33+s25+$0x0] =	vst.idx.add.f32.msk $0xffff, v30;
	v53 =	vmul.f32 v18, v34;
	v54 =	vmul.f32 v19, v35  }
0x12d: {  	v55 =	vor.u32 $0x2000, v26;
	v29 =	vld.idx.msk [tilespmem:v29+s3+$0x0], $0xffff;
	v36 =	vadd.f32 v51, v50  }
0x12e: {  	v56 =	vld.idx.msk [tilespmem:v47+s3+$0x0], $0xffff;
	v33 =	vadd.f32 v54, v53  }
0x12f: {  	[tilespmem:v48+s25+$0x0] =	vst.idx.add.f32.msk $0xffff, v36  }
0x130: {  	[tilespmem:v49+s25+$0x0] =	vst.idx.add.f32.msk $0xffff, v33  }
0x131: {  	v30 =	vld.idx.msk [tilespmem:v52+s3+$0x0], $0xffff  }
0x132: {  	v57 =	vor.u32 $0x800, v10;
	v32 =	vld.idx.msk [tilespmem:v55+s3+$0x0], $0xffff  }
0x133: {  	v60 =	vor.u32 $0x800, v17;
	v58 =	vmul.f32 v14, v29;
	v59 =	vmul.f32 v15, v56  }
0x134: {  	v61 =	vor.u32 $0x3000, v11;
	v29 =	vmul.f32 v13, v29;
	v37 =	vmul.f32 v16, v56  }
0x135: {  	v62 =	vor.u32 $0x3000, v12;
	v33 =	vadd.f32 v59, v58  }
0x136: {  	v63 =	vor.u32 $0x800, v21;
	v29 =	vadd.f32 v37, v29  }
0x137: {  	v42 =	vor.u32 $0x800, v20;
	[tilespmem:v57+s25+$0x0] =	vst.idx.add.f32.msk $0xffff, v33;
	v40 =	vmul.f32 v23, v30;
	v41 =	vmul.f32 v24, v32  }
0x138: {  	v43 =	vor.u32 $0x3000, v27;
	[tilespmem:v60+s25+$0x0] =	vst.idx.add.f32.msk $0xffff, v29;
	v30 =	vmul.f32 v18, v30;
	v32 =	vmul.f32 v19, v32  }
0x139: {  	v44 =	vor.u32 $0x3000, v26;
	v35 =	vld.idx.msk [tilespmem:v61+s3+$0x0], $0xffff;
	v31 =	vadd.f32 v41, v40  }
0x13a: {  	v34 =	vld.idx.msk [tilespmem:v62+s3+$0x0], $0xffff;
	v30 =	vadd.f32 v32, v30  }
0x13b: {  	[tilespmem:v63+s25+$0x0] =	vst.idx.add.f32.msk $0xffff, v31  }
0x13c: {  	[tilespmem:v42+s25+$0x0] =	vst.idx.add.f32.msk $0xffff, v30  }
0x13d: {  	v29 =	vld.idx.msk [tilespmem:v43+s3+$0x0], $0xffff  }
0x13e: {  	v45 =	vor.u32 $0xC00, v10;
	v31 =	vld.idx.msk [tilespmem:v44+s3+$0x0], $0xffff  }
0x13f: {  	v48 =	vor.u32 $0xC00, v17;
	v46 =	vmul.f32 v14, v35;
	v47 =	vmul.f32 v15, v34  }
0x140: {  	v49 =	vor.u32 $0x4000, v11;
	v35 =	vmul.f32 v13, v35;
	v34 =	vmul.f32 v16, v34  }
0x141: {  	v50 =	vor.u32 $0x4000, v12;
	v32 =	vadd.f32 v47, v46  }
0x142: {  	v51 =	vor.u32 $0xC00, v21;
	v34 =	vadd.f32 v34, v35  }
0x143: {  	v54 =	vor.u32 $0xC00, v20;
	[tilespmem:v45+s25+$0x0] =	vst.idx.add.f32.msk $0xffff, v32;
	v52 =	vmul.f32 v23, v29;
	v53 =	vmul.f32 v24, v31  }
0x144: {  	v55 =	vor.u32 $0x4000, v27;
	[tilespmem:v48+s25+$0x0] =	vst.idx.add.f32.msk $0xffff, v34;
	v29 =	vmul.f32 v18, v29;
	v31 =	vmul.f32 v19, v31  }
0x145: {  	v56 =	vor.u32 $0x4000, v26;
	v36 =	vld.idx.msk [tilespmem:v49+s3+$0x0], $0xffff;
	v30 =	vadd.f32 v53, v52  }
0x146: {  	v33 =	vld.idx.msk [tilespmem:v50+s3+$0x0], $0xffff;
	v29 =	vadd.f32 v31, v29  }
0x147: {  	[tilespmem:v51+s25+$0x0] =	vst.idx.add.f32.msk $0xffff, v30  }
0x148: {  	[tilespmem:v54+s25+$0x0] =	vst.idx.add.f32.msk $0xffff, v29  }
0x149: {  	v29 =	vld.idx.msk [tilespmem:v55+s3+$0x0], $0xffff  }
0x14a: {  	v57 =	vor.u32 $0x1000, v10;
	v58 =	vld.idx.msk [tilespmem:v56+s3+$0x0], $0xffff  }
0x14b: {  	v61 =	vor.u32 $0x1000, v17;
	v59 =	vmul.f32 v36, v14;
	v60 =	vmul.f32 v33, v15  }
0x14c: {  	v62 =	vor.u32 $0x5000, v11;
	v36 =	vmul.f32 v36, v13;
	v33 =	vmul.f32 v33, v16  }
0x14d: {  	v63 =	vor.u32 $0x5000, v12;
	v32 =	vadd.f32 v60, v59  }
0x14e: {  	v40 =	vor.u32 $0x1000, v21;
	v33 =	vadd.f32 v33, v36  }
0x14f: {  	v43 =	vor.u32 $0x1000, v20;
	[tilespmem:v57+s25+$0x0] =	vst.idx.add.f32.msk $0xffff, v32;
	v41 =	vmul.f32 v29, v23;
	v42 =	vmul.f32 v58, v24  }
0x150: {  	v44 =	vor.u32 $0x5000, v27;
	[tilespmem:v61+s25+$0x0] =	vst.idx.add.f32.msk $0xffff, v33;
	v29 =	vmul.f32 v29, v18;
	v31 =	vmul.f32 v58, v19  }
0x151: {  	v45 =	vor.u32 $0x5000, v26;
	v35 =	vld.idx.msk [tilespmem:v62+s3+$0x0], $0xffff;
	v30 =	vadd.f32 v42, v41  }
0x152: {  	v46 =	vld.idx.msk [tilespmem:v63+s3+$0x0], $0xffff;
	v29 =	vadd.f32 v31, v29  }
0x153: {  	v47 =	vmul.f32 v25, v3;
	v48 =	vmul.f32 v28, v4;
	v49 =	vor.u32 $0x1400, v9;
	[tilespmem:v40+s25+$0x0] =	vst.idx.add.f32.msk $0xffff, v30  }
0x154: {  	v50 =	vmul.f32 v25, v5;
	v52 =	vor.u32 $0x6000, v7;
	v51 =	vmul.f32 v28, v6;
	[tilespmem:v43+s25+$0x0] =	vst.idx.add.f32.msk $0xffff, v29  }
0x155: {  	v53 =	vadd.f32 v48, v47;
	v54 =	vor.u32 $0x6000, v8;
	v33 =	vld.idx.msk [tilespmem:v44+s3+$0x0], $0xffff  }
0x156: {  	v25 =	vadd.f32 v51, v50;
	v55 =	vor.u32 $0x1400, v10;
	v36 =	vld.idx.msk [tilespmem:v45+s3+$0x0], $0xffff  }
0x157: {  	[tilespmem:v22+s25+$0x0] =	vst.idx.add.f32.msk $0xffff, v53;
	v58 =	vor.u32 $0x1400, v17;
	v56 =	vmul.f32 v35, v14;
	v57 =	vmul.f32 v46, v15  }
0x158: {  	[tilespmem:v49+s25+$0x0] =	vst.idx.add.f32.msk $0xffff, v25;
	v61 =	vor.u32 $0x6000, v11;
	v59 =	vmul.f32 v35, v13;
	v60 =	vmul.f32 v46, v16  }
0x159: {  	v34 =	vld.idx.msk [tilespmem:v52+s3+$0x0], $0xffff;
	v62 =	vor.u32 $0x6000, v12;
	v22 =	vadd.f32 v57, v56  }
0x15a: {  	v63 =	vor.u32 $0x1400, v21;
	v31 =	vld.idx.msk [tilespmem:v54+s3+$0x0], $0xffff;
	v25 =	vadd.f32 v60, v59  }
0x15b: {  	v42 =	vor.u32 $0x1400, v20;
	[tilespmem:v55+s25+$0x0] =	vst.idx.add.f32.msk $0xffff, v22;
	v40 =	vmul.f32 v33, v23;
	v41 =	vmul.f32 v36, v24  }
0x15c: {  	v45 =	vor.u32 $0x6000, v27;
	[tilespmem:v58+s25+$0x0] =	vst.idx.add.f32.msk $0xffff, v25;
	v43 =	vmul.f32 v33, v18;
	v44 =	vmul.f32 v36, v19  }
0x15d: {  	v46 =	vor.u32 $0x6000, v26;
	v32 =	vld.idx.msk [tilespmem:v61+s3+$0x0], $0xffff;
	v22 =	vadd.f32 v41, v40  }
0x15e: {  	v47 =	vor.u32 $0x1800, v2;
	v29 =	vld.idx.msk [tilespmem:v62+s3+$0x0], $0xffff;
	v25 =	vadd.f32 v44, v43  }
0x15f: {  	v50 =	vor.u32 $0x1800, v9;
	v48 =	vmul.f32 v34, v3;
	v49 =	vmul.f32 v31, v4;
	[tilespmem:v63+s25+$0x0] =	vst.idx.add.f32.msk $0xffff, v22  }
0x160: {  	v7 =	vor.u32 $0x7000, v7;
	v51 =	vmul.f32 v34, v5;
	v31 =	vmul.f32 v31, v6;
	[tilespmem:v42+s25+$0x0] =	vst.idx.add.f32.msk $0xffff, v25  }
0x161: {  	v8 =	vor.u32 $0x7000, v8;
	v52 =	vadd.f32 v49, v48;
	v53 =	vld.idx.msk [tilespmem:v45+s3+$0x0], $0xffff  }
0x162: {  	v54 =	vor.u32 $0x1800, v10;
	v30 =	vadd.f32 v31, v51;
	v28 =	vld.idx.msk [tilespmem:v46+s3+$0x0], $0xffff  }
0x163: {  	v57 =	vor.u32 $0x1800, v17;
	[tilespmem:v47+s25+$0x0] =	vst.idx.add.f32.msk $0xffff, v52;
	v55 =	vmul.f32 v32, v14;
	v56 =	vmul.f32 v29, v15  }
0x164: {  	v11 =	vor.u32 $0x7000, v11;
	[tilespmem:v50+s25+$0x0] =	vst.idx.add.f32.msk $0xffff, v30;
	v58 =	vmul.f32 v32, v13;
	v29 =	vmul.f32 v29, v16  }
0x165: {  	v59 =	vor.u32 $0x7000, v12;
	v7 =	vld.idx.msk [tilespmem:v7+s3+$0x0], $0xffff;
	v25 =	vadd.f32 v56, v55  }
0x166: {  	v60 =	vor.u32 $0x1800, v21;
	v8 =	vld.idx.msk [tilespmem:v8+s3+$0x0], $0xffff;
	v22 =	vadd.f32 v29, v58  }
0x167: {  	v63 =	vor.u32 $0x1800, v20;
	[tilespmem:v54+s25+$0x0] =	vst.idx.add.f32.msk $0xffff, v25;
	v61 =	vmul.f32 v53, v23;
	v62 =	vmul.f32 v28, v24  }
0x168: {  	v27 =	vor.u32 $0x7000, v27;
	[tilespmem:v57+s25+$0x0] =	vst.idx.add.f32.msk $0xffff, v22;
	v32 =	vmul.f32 v53, v18;
	v28 =	vmul.f32 v28, v19  }
0x169: {  	v26 =	vor.u32 $0x7000, v26;
	v11 =	vld.idx.msk [tilespmem:v11+s3+$0x0], $0xffff;
	v25 =	vadd.f32 v62, v61  }
0x16a: {  	v12 =	vld.idx.msk [tilespmem:v59+s3+$0x0], $0xffff;
	v22 =	vadd.f32 v28, v32  }
0x16b: {  	[tilespmem:v60+s25+$0x0] =	vst.idx.add.f32.msk $0xffff, v25  }
0x16c: {  	[tilespmem:v63+s25+$0x0] =	vst.idx.add.f32.msk $0xffff, v22  }
0x16d: {  	v2 =	vor.u32 $0x1C00, v2;
	v3 =	vmul.f32 v7, v3;
	v4 =	vmul.f32 v8, v4;
	v22 =	vld.idx.msk [tilespmem:v27+s3+$0x0], $0xffff  }
0x16e: {  	v9 =	vor.u32 $0x1C00, v9;
	v25 =	vld.idx.msk [tilespmem:v26+s3+$0x0], $0xffff  }
0x16f: {  	v5 =	vmul.f32 v7, v5;
	v6 =	vmul.f32 v8, v6;
	v3 =	vadd.f32 v4, v3  }
0x170: {  	v4 =	vor.u32 $0x1C00, v10;
	v7 =	vmul.f32 v11, v14;
	v8 =	vmul.f32 v12, v15  }
0x171: {  	v5 =	vadd.f32 v6, v5;
	v6 =	vor.u32 $0x1C00, v17;
	v10 =	vmul.f32 v11, v13  }
0x172: {  	[tilespmem:v2+s25+$0x0] =	vst.idx.add.f32.msk $0xffff, v3;
	v2 =	vmul.f32 v12, v16;
	v3 =	vadd.f32 v8, v7;
	v7 =	vor.u32 $0x1C00, v21  }
0x173: {  	[tilespmem:v9+s25+$0x0] =	vst.idx.add.f32.msk $0xffff, v5;
	v9 =	vor.u32 $0x1C00, v20;
	v5 =	vmul.f32 v22, v23;
	v8 =	vmul.f32 v25, v24  }
0x174: {  	v2 =	vadd.f32 v2, v10;
	v10 =	vmul.f32 v22, v18;
	v11 =	vmul.f32 v25, v19  }
0x175: {  	[tilespmem:v4+s25+$0x0] =	vst.idx.add.f32.msk $0xffff, v3;
	v3 =	vadd.f32 v8, v5  }
0x176: {  	[tilespmem:v6+s25+$0x0] =	vst.idx.add.f32.msk $0xffff, v2;
	v2 =	vadd.f32 v11, v10  }
0x177: {  	[tilespmem:v7+s25+$0x0] =	vst.idx.add.f32.msk $0xffff, v3  }
0x178: {  	[tilespmem:v9+s25+$0x0] =	vst.idx.add.f32.msk $0xffff, v2  }
0x179: {  	[spmem:s16] =	stream.strided.scatter [tilespmem:s25], [sflag:$0x2], $0x2000, s21, s20, $0x38;
	[tilespmem:$0xF600] =	vst v63  }
0x17a: {  	_ =	swait.ge [sflag:s26], $0x2000  }
0x17b: {  	[sflag:s26] =	ssyncset.done $0x0  }
0x17c: {  	s6 =	simm.s32 $0x10000;
	s1 =	simm.s32 $0xB400;
	[sflag:s26] =	ssyncadd.s32 $0xFFFFE000  }
0x17d: {  	s7 =	simm.s32 $0x0;
	s29 =	simm.s32 $0x0;
	[bflag:$0x0] =	sbarrier.arrive $0xFFFF  }
0x17e: {  	[tilespmem:s1], [sflag:$0x2] =	stream.strided.gather [spmem:s17], $0x2000, s6, s22, $0x38;
	[tilespmem:$0xF600] =	vst v63  }
0x17f: {  	s0 =	sand.u32 $0x60, s29;
	s1 =	sand.u32 $0xC00, s7;
	_ =	swait.ge [sflag:s26], $0x2000  }
0x180: {  	s30 =	sor.u32 $0x10, s0;
	s2 =	sadd.s32 $0xB400, s1;
	[sflag:s26] =	ssyncset.done $0x0  }
0x181: {  	s4 =	sor.u32 s30, s2;
	[sflag:s26] =	ssyncadd.s32 $0xFFFFE000  }
0x182: {  	v2 =	vld [tilespmem:s4+$0x0]  }
0x183: {  	s2 =	sor.u32 s0, s2;
	v3 =	vld [tilespmem:s4+$0x80]  }
0x184: {  	v4 =	vld [tilespmem:s2+$0x0]  }
0x185: {  	v5 =	vld [tilespmem:s4+$0x100]  }
0x186: {  	v6 =	vld [tilespmem:s2+$0x80]  }
0x187: {  	v7 =	vld [tilespmem:s4+$0x180]  }
0x188: {  	v8 =	vld [tilespmem:s2+$0x100]  }
0x189: {  	v9 =	vld [tilespmem:s4+$0x200]  }
0x18a: {  	v10 =	vld [tilespmem:s2+$0x180]  }
0x18b: {  	v11 =	vld [tilespmem:s4+$0x280]  }
0x18c: {  	v33 =	vld [tilespmem:s2+$0x200]  }
0x18d: {  	v34 =	vld [tilespmem:s4+$0x300]  }
0x18e: {  	v35 =	vld [tilespmem:s2+$0x280]  }
0x18f: {  	s5 =	sadd.s32 $0xC400, s1;
	v36 =	vld [tilespmem:s4+$0x380]  }
0x190: {  	s23 =	sor.u32 s30, s5;
	v37 =	vld [tilespmem:s2+$0x300]  }
0x191: {  	s6 =	sadd.s32 $0xC480, s1;
	v38 =	vld [tilespmem:s23+$0x0]  }
0x192: {  	s7 =	sor.u32 s30, s6;
	v39 =	vld [tilespmem:s2+$0x380]  }
0x193: {  	s23 =	sor.u32 s0, s5;
	s5 =	sadd.s32 $0xC500, s1;
	v40 =	vld [tilespmem:s7+$0x0]  }
0x194: {  	v41 =	vld [tilespmem:s23+$0x0];
	s7 =	sor.u32 s30, s5  }
0x195: {  	s23 =	sor.u32 s0, s6;
	s6 =	sadd.s32 $0xC580, s1;
	v42 =	vld [tilespmem:s7+$0x0]  }
0x196: {  	v43 =	vld [tilespmem:s23+$0x0];
	s7 =	sor.u32 s30, s6  }
0x197: {  	s23 =	sor.u32 s0, s5;
	s5 =	sadd.s32 $0xC600, s1;
	v44 =	vld [tilespmem:s7+$0x0]  }
0x198: {  	v45 =	vld [tilespmem:s23+$0x0];
	s7 =	sor.u32 s30, s5  }
0x199: {  	s23 =	sor.u32 s0, s6;
	s6 =	sadd.s32 $0xC680, s1;
	v46 =	vld [tilespmem:s7+$0x0]  }
0x19a: {  	v47 =	vld [tilespmem:s23+$0x0];
	s7 =	sor.u32 s30, s6  }
0x19b: {  	s23 =	sor.u32 s0, s5;
	s5 =	sadd.s32 $0xC700, s1;
	v48 =	vld [tilespmem:s7+$0x0]  }
0x19c: {  	v49 =	vld [tilespmem:s23+$0x0];
	s4 =	sor.u32 s30, s5  }
0x19d: {  	s7 =	sor.u32 s0, s6;
	s6 =	sadd.s32 $0xC780, s1;
	v2 =	vadd.f32 v3, v2;
	v50 =	vld [tilespmem:s4+$0x0]  }
0x19e: {  	s28 =	simm.s32 $0x100;
	v3 =	vadd.f32 v6, v4;
	s23 =	simm.s32 $0x20;
	v4 =	vld [tilespmem:s7+$0x0];
	s7 =	sor.u32 s30, s6  }
0x19f: {  	s5 =	sor.u32 s0, s5;
	s1 =	sand.u32 $0xC00, s28;
	s2 =	sand.u32 $0x60, s23;
	v6 =	vld [tilespmem:s7+$0x0];
	v2 =	vadd.f32 v5, v2  }
0x1a0: {  	s4 =	sor.u32 s0, s6;
	s6 =	sadd.s32 $0xB400, s1;
	v3 =	vadd.f32 v8, v3;
	s0 =	sor.u32 $0x10, s2;
	v5 =	vld [tilespmem:s5+$0x0]  }
0x1a1: {  	v8 =	vld [tilespmem:s4+$0x0];
	s7 =	sor.u32 s0, s6;
	v2 =	vadd.f32 v7, v2  }
0x1a2: {  	v3 =	vadd.f32 v10, v3;
	v7 =	vld [tilespmem:s7+$0x0]  }
0x1a3: {  	v10 =	vld [tilespmem:s7+$0x80];
	v2 =	vadd.f32 v9, v2  }
0x1a4: {  	s4 =	sor.u32 s2, s6;
	v51 =	vld [tilespmem:s7+$0x100];
	v3 =	vadd.f32 v33, v3  }
0x1a5: {  	v9 =	vld [tilespmem:s4+$0x0];
	v2 =	vadd.f32 v11, v2  }
0x1a6: {  	v3 =	vadd.f32 v35, v3;
	v11 =	vld [tilespmem:s4+$0x80]  }
0x1a7: {  	v52 =	vld [tilespmem:s7+$0x180];
	v2 =	vadd.f32 v34, v2  }
0x1a8: {  	v53 =	vld [tilespmem:s4+$0x100];
	v7 =	vadd.f32 v10, v7;
	v3 =	vadd.f32 v37, v3  }
0x1a9: {  	v10 =	vld [tilespmem:s7+$0x200];
	v2 =	vadd.f32 v36, v2  }
0x1aa: {  	v54 =	vld [tilespmem:s4+$0x180];
	v7 =	vadd.f32 v51, v7;
	v3 =	vadd.f32 v39, v3  }
0x1ab: {  	v9 =	vadd.f32 v11, v9;
	v11 =	vld [tilespmem:s7+$0x280];
	v2 =	vadd.f32 v38, v2  }
0x1ac: {  	v55 =	vld [tilespmem:s4+$0x200];
	v7 =	vadd.f32 v52, v7;
	v3 =	vadd.f32 v41, v3  }
0x1ad: {  	v56 =	vld [tilespmem:s7+$0x300];
	v9 =	vadd.f32 v53, v9;
	v2 =	vadd.f32 v40, v2  }
0x1ae: {  	v57 =	vld [tilespmem:s4+$0x280];
	v7 =	vadd.f32 v10, v7;
	v3 =	vadd.f32 v43, v3  }
0x1af: {  	s6 =	sadd.s32 $0xC400, s1;
	v10 =	vld [tilespmem:s7+$0x380];
	v9 =	vadd.f32 v54, v9;
	v2 =	vadd.f32 v42, v2  }
0x1b0: {  	v58 =	vld [tilespmem:s4+$0x300];
	s5 =	sor.u32 s0, s6;
	v3 =	vadd.f32 v45, v3;
	v7 =	vadd.f32 v11, v7  }
0x1b1: {  	s7 =	sadd.s32 $0xC480, s1;
	v11 =	vld [tilespmem:s5+$0x0];
	v9 =	vadd.f32 v55, v9;
	v2 =	vadd.f32 v44, v2  }
0x1b2: {  	v59 =	vld [tilespmem:s4+$0x380];
	s4 =	sor.u32 s0, s7;
	v3 =	vadd.f32 v47, v3;
	v7 =	vadd.f32 v56, v7  }
0x1b3: {  	v60 =	vld [tilespmem:s4+$0x0];
	s5 =	sor.u32 s2, s6;
	s6 =	sadd.s32 $0xC500, s1;
	v9 =	vadd.f32 v57, v9;
	v2 =	vadd.f32 v46, v2  }
0x1b4: {  	v61 =	vld [tilespmem:s5+$0x0];
	s4 =	sor.u32 s0, s6;
	v3 =	vadd.f32 v49, v3;
	v7 =	vadd.f32 v10, v7  }
0x1b5: {  	s5 =	sor.u32 s2, s7;
	s7 =	sadd.s32 $0xC580, s1;
	v10 =	vld [tilespmem:s4+$0x0];
	v9 =	vadd.f32 v58, v9;
	v2 =	vadd.f32 v48, v2  }
0x1b6: {  	v62 =	vld [tilespmem:s5+$0x0];
	s4 =	sor.u32 s0, s7;
	v3 =	vadd.f32 v4, v3;
	v4 =	vadd.f32 v11, v7  }
0x1b7: {  	s5 =	sor.u32 s2, s6;
	s6 =	sadd.s32 $0xC600, s1;
	v7 =	vadd.f32 v59, v9;
	v9 =	vld [tilespmem:s4+$0x0];
	v11 =	vadd.f32 v50, v2  }
0x1b8: {  	v63 =	vld [tilespmem:s5+$0x0];
	s4 =	sor.u32 s0, s6;
	v3 =	vadd.f32 v5, v3;
	v5 =	vadd.f32 v60, v4  }
0x1b9: {  	s5 =	sor.u32 s2, s7;
	s7 =	sadd.s32 $0xC680, s1;
	v2 =	vld [tilespmem:s4+$0x0];
	v7 =	vadd.f32 v61, v7  }
0x1ba: {  	s4 =	sand.u32 $0x180, s29;
	v4 =	vld [tilespmem:s5+$0x0];
	s5 =	sor.u32 s0, s7;
	v6 =	vadd.f32 v6, v11;
	v10 =	vadd.f32 v10, v5  }
0x1bb: {  	s6 =	sor.u32 s2, s6;
	s4 =	sor.u32 s30, s4;
	s30 =	sadd.s32 $0xC700, s1;
	v8 =	vadd.f32 v8, v3;
	v3 =	vld [tilespmem:s5+$0x0];
	v11 =	vadd.f32 v62, v7  }
0x1bc: {  	s29 =	simm.s32 $0xD400;
	s5 =	sor.u32 s2, s7;
	v5 =	vld [tilespmem:s6+$0x0];
	s7 =	sor.u32 s0, s30;
	[tilespmem:s4+$0xD400] =	vst v6;
	v7 =	vadd.f32 v9, v10  }
0x1bd: {  	s6 =	sadd.s32 $0xC780, s1;
	[tilespmem:s29+$0x0] =	vst v8;
	s4 =	sor.u32 s2, s30;
	v6 =	vld [tilespmem:s7+$0x0];
	s30 =	simm.s32 $0x20;
	v8 =	vadd.f32 v63, v11  }
.LBB2_6:
0x1be: {  	s23 =	sadd.s32 $0x20, s23;
	v9 =	vld [tilespmem:s5+$0x0];
	v2 =	vadd.f32 v2, v7;
	s5 =	sor.u32 s0, s6;
	s28 =	sadd.s32 $0x100, s28  }
0x1bf: {  	s6 =	sor.u32 s2, s6;
	s1 =	sand.u32 $0xC00, s28;
	v4 =	vadd.f32 v4, v8;
	s2 =	sand.u32 $0x60, s23;
	v7 =	vld [tilespmem:s5+$0x0]  }
0x1c0: {  	p0 =	slt.u32 s23, $0x1E0;
	s5 =	sadd.s32 $0xB400, s1;
	s7 =	sor.u32 $0x10, s2;
	v8 =	vld [tilespmem:s4+$0x0];
	v2 =	vadd.f32 v3, v2  }
0x1c1: {  	s4 =	sor.u32 s2, s5;
	s5 =	sor.u32 s7, s5;
	v3 =	vadd.f32 v5, v4;
	v4 =	vld [tilespmem:s6+$0x0]  }
0x1c2: {  	v5 =	vld [tilespmem:s5+$0x0];
	v2 =	vadd.f32 v6, v2  }
0x1c3: {  	v6 =	vld [tilespmem:s5+$0x80];
	v3 =	vadd.f32 v9, v3  }
0x1c4: {  	s6 =	sand.u32 $0x180, s30;
	s30 =	smov.u32 s23;
	v9 =	vld [tilespmem:s4+$0x0];
	v2 =	vadd.f32 v7, v2  }
0x1c5: {  	s6 =	sor.u32 s0, s6;
	s0 =	smov.u32 s7;
	v7 =	vld [tilespmem:s5+$0x100];
	v3 =	vadd.f32 v8, v3  }
0x1c6: {  	v8 =	vld [tilespmem:s4+$0x80];
	[tilespmem:s6+$0xD400] =	vst v2  }
0x1c7: {  	v2 =	vld [tilespmem:s5+$0x180];
	v3 =	vadd.f32 v4, v3  }
0x1c8: {  	s29 =	sadd.s32 $0x20, s29;
	v4 =	vld [tilespmem:s4+$0x100];
	v5 =	vadd.f32 v6, v5  }
0x1c9: {  	v6 =	vld [tilespmem:s5+$0x200];
	[tilespmem:s29+$0x0] =	vst v3  }
0x1ca: {  	v3 =	vld [tilespmem:s4+$0x180];
	v5 =	vadd.f32 v7, v5  }
0x1cb: {  	v7 =	vadd.f32 v8, v9;
	v8 =	vld [tilespmem:s5+$0x280]  }
0x1cc: {  	v9 =	vld [tilespmem:s4+$0x200];
	v2 =	vadd.f32 v2, v5  }
0x1cd: {  	v4 =	vadd.f32 v4, v7;
	v5 =	vld [tilespmem:s5+$0x300]  }
0x1ce: {  	v7 =	vld [tilespmem:s4+$0x280];
	v2 =	vadd.f32 v6, v2  }
0x1cf: {  	s6 =	sadd.s32 $0xC400, s1;
	v3 =	vadd.f32 v3, v4;
	v4 =	vld [tilespmem:s5+$0x380]  }
0x1d0: {  	s5 =	sor.u32 s2, s6;
	s6 =	sor.u32 s0, s6;
	v6 =	vld [tilespmem:s4+$0x300];
	v2 =	vadd.f32 v8, v2  }
0x1d1: {  	s7 =	sadd.s32 $0xC480, s1;
	v3 =	vadd.f32 v9, v3;
	v8 =	vld [tilespmem:s6+$0x0]  }
0x1d2: {  	s6 =	sor.u32 s0, s7;
	v9 =	vld [tilespmem:s4+$0x380];
	s4 =	sor.u32 s2, s7;
	v2 =	vadd.f32 v5, v2  }
0x1d3: {  	s7 =	sadd.s32 $0xC500, s1;
	v3 =	vadd.f32 v7, v3;
	v5 =	vld [tilespmem:s6+$0x0]  }
0x1d4: {  	s6 =	sor.u32 s0, s7;
	v7 =	vld [tilespmem:s5+$0x0];
	s5 =	sor.u32 s2, s7;
	v2 =	vadd.f32 v4, v2  }
0x1d5: {  	s7 =	sadd.s32 $0xC580, s1;
	v3 =	vadd.f32 v6, v3;
	v6 =	vld [tilespmem:s6+$0x0]  }
0x1d6: {  	s6 =	sor.u32 s0, s7;
	v10 =	vld [tilespmem:s4+$0x0];
	s4 =	sor.u32 s2, s7;
	v2 =	vadd.f32 v8, v2  }
0x1d7: {  	s7 =	sadd.s32 $0xC600, s1;
	v3 =	vadd.f32 v9, v3;
	v8 =	vld [tilespmem:s6+$0x0]  }
0x1d8: {  	s6 =	sor.u32 s2, s7;
	v9 =	vld [tilespmem:s5+$0x0];
	v5 =	vadd.f32 v5, v2;
	s5 =	sor.u32 s0, s7  }
.Ltmp2:
0x1d9: {  	s7 =	sadd.s32 $0xC680, s1;
	v3 =	vadd.f32 v7, v3;
	v2 =	vld [tilespmem:s5+$0x0];
	(pc) =	sbr.rel @p0 .LBB2_6-.Ltmp2, $4  }
0x1da: {  	s5 =	sor.u32 s2, s7;
	v4 =	vld [tilespmem:s4+$0x0];
	v6 =	vadd.f32 v6, v5;
	s4 =	sor.u32 s0, s7  }
0x1db: {  	s7 =	sadd.s32 $0xC700, s1;
	v10 =	vadd.f32 v10, v3;
	v3 =	vld [tilespmem:s4+$0x0]  }
0x1dc: {  	s4 =	sor.u32 s2, s7;
	s7 =	sor.u32 s0, s7;
	v5 =	vld [tilespmem:s6+$0x0];
	v7 =	vadd.f32 v8, v6  }
0x1dd: {  	s6 =	sadd.s32 $0xC780, s1;
	v8 =	vadd.f32 v9, v10;
	v6 =	vld [tilespmem:s7+$0x0]  }
0x1de: {  	v9 =	vld [tilespmem:s5+$0x0]  }
0x1df: {  	v4 =	vadd.f32 v4, v8  }
0x1e0: {  	v2 =	vadd.f32 v2, v7;
	s1 =	sor.u32 s0, s6;
	v62 =	vld [tilespmem:s4+$0x0]  }
0x1e1: {  	s2 =	sor.u32 s2, s6;
	v63 =	vld [tilespmem:s1+$0x0];
	v4 =	vadd.f32 v5, v4  }
0x1e2: {  	v2 =	vadd.f32 v3, v2;
	v3 =	vld [tilespmem:s2+$0x0]  }
0x1e3: {  	v4 =	vadd.f32 v9, v4  }
0x1e4: {  	v2 =	vadd.f32 v6, v2  }
0x1e5: {  	v4 =	vadd.f32 v62, v4  }
0x1e6: {  	s23 =	sand.u32 $0x180, s30;
	v2 =	vadd.f32 v63, v2  }
0x1e7: {  	s31 =	sadd.s32 $0x1, s31;
	s28 =	sor.u32 s0, s23;
	v3 =	vadd.f32 v3, v4  }
0x1e8: {  	s29 =	sadd.s32 $0x20, s29;
	p0 =	sne.s32 s31, s19;
	[tilespmem:s28+$0xD400] =	vst v2  }
.Ltmp3:
0x1e9: {  	s30 =	simm.s32 $0xD400;
	[tilespmem:s29+$0x0] =	vst v3;
	(pc) =	sbr.rel @p0 .LBB2_1-.Ltmp3, $4  }
0x1ea: {  	[hbm4b:s18+s20] =	stream.strided.scatter [tilespmem:s30], [sflag:$0x2], $0x200, s21, s20, $0x38;
	[tilespmem:$0xF600] =	vst v63  }
0x1eb: {  	_ =	swait.ge [sflag:s26], $0x200  }
0x1ec: {  	[sflag:s26] =	ssyncset.done $0x0  }
0x1ed: {  	[sflag:s26] =	ssyncadd.s32 $0xFFFFFE00  }
0x1ee: {  	_ =	sfence.sel $0x180000  }
0x1ef: {  	[bflag:$0x0] =	sbarrier.arrive $0xFFFF  }
0x1f0: {  	_ =	strace $0x90000047  }
0x1f1: {  	s0 =	stileid.u32;
	[bflag:$0x2] =	sbarrier.arrive $0xFFFF  }
0x1f2: {  	p0 =	sne.s32 s0, $0x0;
	s0 =	rddreg [dreg:$0x4]  }
0x1f3: {  	s0 =	sadd.s32 @!p0 $0x100000, s0  }
0x1f4: {  	[sflag:s0] =	ssyncadd.tile.s32 @!p0 $0x1;
	_ =	shalt  }
.Lfunc_end2:
_tile_overlayer_lowered:
.L_overlay_start_2:
0x1f5: {  	(tag) =	ssettag $0x2  }
0x1f6: {  	s0 =	rddreg [dreg:$0x0];
	s2 =	stileid.u32  }
0x1f7: {  	s1 =	rddreg [dreg:$0x1];
	p0 =	sne.s32 s2, $0x0  }
0x1f8: {  	s3 =	rddreg [dreg:$0x2];
	[bflag:$0x3] =	sbarrier.arrive $0xFFFF;
	s2 =	simm.s32 @!p0 $0x1C02  }
0x1f9: {  	[timem:s3], [sflag:s2] =	dma.local @!p0 [hbm:s0], s1  }
0x1fa: {  	s0 =	simm.s32 @!p0 $0x2  }
0x1fb: {  	_ =	swait.ge @!p0 [sflag:s0], s1  }
0x1fc: {  	s1 =	ssub.s32 @!p0 $0x0, s1;
	[sflag:s0] =	ssyncset.done @!p0 $0x0  }
0x1fd: {  	[sflag:s0] =	ssyncadd.s32 @!p0 s1  }
0x1fe: {  	[bflag:$0x3] =	sbarrier.arrive $0xFFFF  }
0x1ff: {  	_ =	shalt  }

</sc_bundles>
